<compile_context>
chip_gen: v7x
topology: tpu7x:2x2x1
jax: 0.10.2.dev20260603
libtpu: 0.0.44.dev20260713+nightly
codegen_flags: <defaults>
</compile_context>

<pallas_src>
import functools

import jax
import jax.numpy as jnp
from jax import lax
from jax.experimental import pallas as pl
from jax.experimental.pallas import tpu as pltpu
from jax.experimental.pallas import tpu_sc as plsc

_D = 64
_B = 1024
_S = 200
_LANES = 16
_BB = 128
_NBH = _B // _BB
_NSQ = 4
_SPW = _S // _NSQ
_DH = _D // 8
_OP = 136


def _sc_embed(xprep, table, pos2d):
    mesh = plsc.VectorSubcoreMesh(core_axis_name="c", subcore_axis_name="s")

    @functools.partial(
        pl.kernel,
        mesh=mesh,
        out_type=jax.ShapeDtypeStruct((_S, _DH, _NBH, 8, _BB), jnp.float32),
        scratch_types=[
            pltpu.VMEM((_S, _D), jnp.float32),
            pltpu.VMEM((_SPW, _BB), jnp.int32),
            [pltpu.VMEM((_BB, _D), jnp.float32)] * 2,
            [pltpu.VMEM((_DH, 8, _OP), jnp.float32)] * 2,
            [pltpu.SemaphoreType.DMA] * 2,
            [pltpu.SemaphoreType.DMA] * 2,
        ],
        compiler_params=pltpu.CompilerParams(
            use_tc_tiling_on_sc=False, needs_layout_passes=False),
    )
    def k(x_hbm, tab_hbm, pos_hbm, out_hbm, pos_v, idx_v, gbufs, obufs,
          gsems, wsems):
        wid = lax.axis_index("s") * 2 + lax.axis_index("c")
        sq = wid // _NBH
        bh = wid % _NBH
        s_base = sq * _SPW

        pltpu.sync_copy(pos_hbm, pos_v)
        pltpu.sync_copy(x_hbm.at[wid], idx_v)

        def gather_start(s_loc, j):
            pltpu.make_async_copy(
                tab_hbm.at[idx_v.at[s_loc]], gbufs[j], gsems[j]).start()

        def gather_wait(j):
            pltpu.make_async_copy(
                tab_hbm.at[idx_v.at[0]], gbufs[j], gsems[j]).wait()

        def write_dst(s_abs):
            return out_hbm.at[s_abs, :, bh, :, :]

        def obuf_src(j):
            return obufs[j].at[:, :, pl.ds(0, _BB)]

        def write_wait(j):
            pltpu.make_async_copy(obuf_src(j), write_dst(0), wsems[j]).wait()

        gather_start(0, 0)
        gather_start(1, 1)

        iota = jnp.arange(16, dtype=jnp.int32)
        didx = [(( _LANES * i + iota) // 8, (_LANES * i + iota) % 8)
                for i in range(_D // _LANES)]

        def plane(s_loc, j):
            gbuf, obuf = gbufs[j], obufs[j]
            s_abs = s_base + s_loc
            prow = [pos_v[s_abs, pl.ds(_LANES * i, _LANES)]
                    for i in range(_D // _LANES)]

            def bbody(bl, _):
                blp = jnp.full((16,), bl, jnp.int32)
                for i in range(_D // _LANES):
                    v = gbuf[bl, pl.ds(_LANES * i, _LANES)] + prow[i]
                    plsc.store_scatter(obuf, [didx[i][0], didx[i][1], blp], v)
                return 0

            lax.fori_loop(0, _BB, bbody, 0, unroll=4)

        def step(t, _):
            for j in range(2):
                s_loc = 2 * t + j
                gather_wait(j)

                @pl.when(t > 0)
                def _():
                    write_wait(j)

                plane(s_loc, j)
                pltpu.make_async_copy(
                    obuf_src(j), write_dst(s_base + s_loc), wsems[j]).start()

                @pl.when(t < _SPW // 2 - 1)
                def _():
                    gather_start(s_loc + 2, j)

            return 0

        lax.fori_loop(0, _SPW // 2, step, 0)

        write_wait(0)
        write_wait(1)

    return k(xprep, table, pos2d)


def kernel(x, token_emb, pos_emb):
    seq = x.shape[1]
    xprep = (x.T.astype(jnp.int32)
             .reshape(_NSQ, _SPW, _NBH, _BB)
             .transpose(0, 2, 1, 3)
             .reshape(_NSQ * _NBH, _SPW, _BB))
    pos2d = pos_emb[0, :seq, :].astype(jnp.float32)
    out5 = _sc_embed(xprep, token_emb, pos2d)
    return jnp.transpose(out5, (2, 4, 0, 1, 3)).reshape(_B, _S, _D)

# --- scband reference (transcript-rebuilt; emitter-appended) ---
"""Pipeline reference for scband-positional-embedding-1906965479895 (READ-ONLY COPY).

The authoritative reference and input builder live on the scoring server;
editing this copy changes nothing except your own understanding.
"""

import jax, jax.numpy as jnp
import numpy as np

VOCAB_SIZE = 100000
D_MODEL = 64
MAX_LEN = 200
BATCH = 1024
SEQ = 200


def setup_inputs(seed: int = 0) -> dict:
    key = jax.random.key(seed)
    k_idx, k_tok, k_pos = jax.random.split(key, 3)
    x = jax.random.randint(k_idx, (BATCH, SEQ), 0, VOCAB_SIZE, dtype=jnp.int64 if jax.config.jax_enable_x64 else jnp.int32)
    # token embedding table (uniform init like keras Embedding default)
    token_emb = jax.random.uniform(k_tok, (VOCAB_SIZE, D_MODEL), dtype=jnp.float32, minval=-0.05, maxval=0.05)
    # positional embedding, RandomNormal(stddev=0.02)
    pos_emb = jax.random.normal(k_pos, (1, MAX_LEN, D_MODEL), dtype=jnp.float32) * 0.02
    return {"x": x, "token_emb": token_emb, "pos_emb": pos_emb}


def reference(x, token_emb, pos_emb):
    # token embedding lookup (gather)
    tok = jnp.take(token_emb, x, axis=0)  # [B, S, D]
    length = x.shape[1]
    return tok + pos_emb[:, :length, :]

if __name__ == "__main__":
    import jax
    _d = setup_inputs()
    print(jax.jit(kernel)(*tuple(_d.values())))

</pallas_src>

<mosaic_0001>
#map = affine_map<(d0, d1) -> (0, 0, 0)>
#map1 = affine_map<(d0, d1) -> (0, 0)>
#map2 = affine_map<(d0, d1) -> (0, 0, 0, 0, 0)>
module attributes {stable_mosaic.version = 14 : i64} {
  func.func @k(%arg0: i32, %arg1: i32, %arg2: memref<32x50x128xi32, #tpu.memory_space<hbm>>, %arg3: memref<100000x64xf32, #tpu.memory_space<hbm>>, %arg4: memref<200x64xf32, #tpu.memory_space<hbm>>, %arg5: memref<200x8x8x8x128xf32, #tpu.memory_space<hbm>>, %arg6: memref<200x64xf32, #tpu.memory_space<vmem>>, %arg7: memref<50x128xi32, #tpu.memory_space<vmem>>, %arg8: memref<128x64xf32, #tpu.memory_space<vmem>>, %arg9: memref<128x64xf32, #tpu.memory_space<vmem>>, %arg10: memref<8x8x136xf32, #tpu.memory_space<vmem>>, %arg11: memref<8x8x136xf32, #tpu.memory_space<vmem>>, %arg12: memref<!tpu.dma_semaphore, #tpu.memory_space<semaphore_mem>>, %arg13: memref<!tpu.dma_semaphore, #tpu.memory_space<semaphore_mem>>, %arg14: memref<!tpu.dma_semaphore, #tpu.memory_space<semaphore_mem>>, %arg15: memref<!tpu.dma_semaphore, #tpu.memory_space<semaphore_mem>>) attributes {dimension_semantics = [#tpu.dimension_semantics<core_parallel>, #tpu.dimension_semantics<subcore_parallel>], iteration_bounds = array<i64: 2, 16>, scalar_prefetch = 0 : i64, scratch_operands = 10 : i64, tpu.core_type = #tpu.core_type<sc_vector_subcore>, window_params = [{transform_indices = #map}, {transform_indices = #map1}, {transform_indices = #map1}, {transform_indices = #map2}]} {
    %mul3A = arith.constant 2 : i32
    %mul3A_0 = arith.muli %arg1, %mul3A : i32
    %add3A = arith.addi %mul3A_0, %arg0 : i32
    %jit3A = arith.constant 8 : i32
    %div3A = arith.divsi %add3A, %jit3A : i32
    %sign3A = arith.constant 0 : i32
    %sign3A_1 = arith.cmpi sgt, %add3A, %sign3A : i32
    %sign3A_2 = arith.extui %sign3A_1 : i1 to i32
    %sign3A_3 = arith.constant 0 : i32
    %sign3A_4 = arith.cmpi slt, %add3A, %sign3A_3 : i32
    %sign3A_5 = arith.extui %sign3A_4 : i1 to i32
    %sign3A_6 = arith.subi %sign3A_2, %sign3A_5 : i32
    %sign3A_7 = arith.constant 0 : i32
    %sign3A_8 = arith.cmpi sgt, %jit3A, %sign3A_7 : i32
    %sign3A_9 = arith.extui %sign3A_8 : i1 to i32
    %sign3A_10 = arith.constant 0 : i32
    %sign3A_11 = arith.cmpi slt, %jit3A, %sign3A_10 : i32
    %sign3A_12 = arith.extui %sign3A_11 : i1 to i32
    %sign3A_13 = arith.subi %sign3A_9, %sign3A_12 : i32
    %ne3A = arith.cmpi ne, %sign3A_6, %sign3A_13 : i32
    %rem3A = arith.remsi %add3A, %jit3A : i32
    %ne3A_14 = arith.constant 0 : i32
    %ne3A_15 = arith.cmpi ne, %rem3A, %ne3A_14 : i32
    %and3A = arith.andi %ne3A, %ne3A_15 : i1
    %sub3A = arith.constant 1 : i32
    %sub3A_16 = arith.subi %div3A, %sub3A : i32
    %select_n3A = arith.select %and3A, %sub3A_16, %div3A : i32
    %jit3A_17 = arith.constant 8 : i32
    %eq3A = arith.constant 0 : i32
    %eq3A_18 = arith.cmpi eq, %jit3A_17, %eq3A : i32
    %jit3A_19 = arith.constant 1 : i32
    %select_n3A_20 = arith.select %eq3A_18, %jit3A_19, %jit3A_17 : i32
    %rem3A_21 = arith.remsi %add3A, %select_n3A_20 : i32
    %ne3A_22 = arith.constant 0 : i32
    %ne3A_23 = arith.cmpi ne, %rem3A_21, %ne3A_22 : i32
    %lt3A = arith.constant 0 : i32
    %lt3A_24 = arith.cmpi slt, %rem3A_21, %lt3A : i32
    %lt3A_25 = arith.constant 0 : i32
    %lt3A_26 = arith.cmpi slt, %select_n3A_20, %lt3A_25 : i32
    %ne3A_27 = arith.xori %lt3A_24, %lt3A_26 : i1
    %and3A_28 = arith.andi %ne3A_27, %ne3A_23 : i1
    %add3A_29 = arith.addi %rem3A_21, %select_n3A_20 : i32
    %select_n3A_30 = arith.select %and3A_28, %add3A_29, %rem3A_21 : i32
    %mul3A_31 = arith.constant 50 : i32
    %mul3A_32 = arith.muli %select_n3A, %mul3A_31 : i32
    "tpu.region"() ({
      %run_scoped3A = tpu.sem_alloc : memref<!tpu.dma_semaphore, #tpu.memory_space<semaphore_mem>>
      tpu.enqueue_dma source(%arg4 : memref<200x64xf32, #tpu.memory_space<hbm>>) target(%arg6 : memref<200x64xf32, #tpu.memory_space<vmem>>) target_semaphore(%run_scoped3A : memref<!tpu.dma_semaphore, #tpu.memory_space<semaphore_mem>>)
      tpu.wait_dma2 semaphore(%run_scoped3A : memref<!tpu.dma_semaphore, #tpu.memory_space<semaphore_mem>>) src(%arg4 : memref<200x64xf32, #tpu.memory_space<hbm>>) dst(%arg6 : memref<200x64xf32, #tpu.memory_space<vmem>>)
      tpu.yield
    }) : () -> ()
    "tpu.region"() ({
      %run_scoped3A = tpu.sem_alloc : memref<!tpu.dma_semaphore, #tpu.memory_space<semaphore_mem>>
      %dma_start3A_325 = arith.constant 0 : i32
      %dma_start3A_326 = arith.constant 0 : i32
      %dma_start3A_327 = tpu.memref_slice %arg2[%add3A, %dma_start3A_325, %dma_start3A_326] : memref<32x50x128xi32, #tpu.memory_space<hbm>> -> memref<1x50x128xi32, #tpu.memory_space<hbm>>
      %dma_start3A_328 = tpu.memref_squeeze %dma_start3A_327 : memref<1x50x128xi32, #tpu.memory_space<hbm>> -> memref<50x128xi32, #tpu.memory_space<hbm>>
      %dma_start3A_329 = arith.constant 0 : i32
      %dma_start3A_330 = arith.constant 0 : i32
      %dma_start3A_331 = tpu.memref_slice %arg2[%add3A, %dma_start3A_329, %dma_start3A_330] : memref<32x50x128xi32, #tpu.memory_space<hbm>> -> memref<1x50x128xi32, #tpu.memory_space<hbm>>
      %dma_start3A_332 = tpu.memref_squeeze %dma_start3A_331 : memref<1x50x128xi32, #tpu.memory_space<hbm>> -> memref<50x128xi32, #tpu.memory_space<hbm>>
      tpu.enqueue_dma source(%dma_start3A_332 : memref<50x128xi32, #tpu.memory_space<hbm>>) target(%arg7 : memref<50x128xi32, #tpu.memory_space<vmem>>) target_semaphore(%run_scoped3A : memref<!tpu.dma_semaphore, #tpu.memory_space<semaphore_mem>>)
      %dma_wait3A_333 = arith.constant 0 : i32
      %dma_wait3A_334 = arith.constant 0 : i32
      %dma_wait3A_335 = tpu.memref_slice %arg2[%add3A, %dma_wait3A_333, %dma_wait3A_334] : memref<32x50x128xi32, #tpu.memory_space<hbm>> -> memref<1x50x128xi32, #tpu.memory_space<hbm>>
      %dma_wait3A_336 = tpu.memref_squeeze %dma_wait3A_335 : memref<1x50x128xi32, #tpu.memory_space<hbm>> -> memref<50x128xi32, #tpu.memory_space<hbm>>
      %dma_wait3A_337 = arith.constant 0 : i32
      %dma_wait3A_338 = arith.constant 0 : i32
      %dma_wait3A_339 = tpu.memref_slice %arg2[%add3A, %dma_wait3A_337, %dma_wait3A_338] : memref<32x50x128xi32, #tpu.memory_space<hbm>> -> memref<1x50x128xi32, #tpu.memory_space<hbm>>
      %dma_wait3A_340 = tpu.memref_squeeze %dma_wait3A_339 : memref<1x50x128xi32, #tpu.memory_space<hbm>> -> memref<50x128xi32, #tpu.memory_space<hbm>>
      tpu.wait_dma2 semaphore(%run_scoped3A : memref<!tpu.dma_semaphore, #tpu.memory_space<semaphore_mem>>) src(%dma_wait3A_340 : memref<50x128xi32, #tpu.memory_space<hbm>>) dst(%arg7 : memref<50x128xi32, #tpu.memory_space<vmem>>)
      tpu.yield
    }) : () -> ()
    %dma_start3A = arith.constant 0 : i32
    %dma_start3A_33 = arith.constant 0 : i32
    %dma_start3A_34 = tpu.memref_slice %arg7[%dma_start3A, %dma_start3A_33] : memref<50x128xi32, #tpu.memory_space<vmem>> -> memref<1x128xi32, #tpu.memory_space<vmem>>
    %dma_start3A_35 = tpu.memref_squeeze %dma_start3A_34 : memref<1x128xi32, #tpu.memory_space<vmem>> -> memref<128xi32, #tpu.memory_space<vmem>>
    %dma_start3A_36 = arith.constant 0 : i32
    %dma_start3A_37 = arith.constant 0 : i32
    %dma_start3A_38 = tpu.memref_slice %arg3[%dma_start3A_36, %dma_start3A_37] : memref<100000x64xf32, #tpu.memory_space<hbm>> -> memref<100000x64xf32, #tpu.memory_space<hbm>>
    tpu.enqueue_indirect_dma source(%dma_start3A_38 : memref<100000x64xf32, #tpu.memory_space<hbm>>) target(%arg8 : memref<128x64xf32, #tpu.memory_space<vmem>>) offsets(%dma_start3A_35 : memref<128xi32, #tpu.memory_space<vmem>>) semaphore(%arg12 : memref<!tpu.dma_semaphore, #tpu.memory_space<semaphore_mem>>)
    %dma_start3A_39 = arith.constant 1 : i32
    %dma_start3A_40 = arith.constant 0 : i32
    %dma_start3A_41 = tpu.memref_slice %arg7[%dma_start3A_39, %dma_start3A_40] : memref<50x128xi32, #tpu.memory_space<vmem>> -> memref<1x128xi32, #tpu.memory_space<vmem>>
    %dma_start3A_42 = tpu.memref_squeeze %dma_start3A_41 : memref<1x128xi32, #tpu.memory_space<vmem>> -> memref<128xi32, #tpu.memory_space<vmem>>
    %dma_start3A_43 = arith.constant 0 : i32
    %dma_start3A_44 = arith.constant 0 : i32
    %dma_start3A_45 = tpu.memref_slice %arg3[%dma_start3A_43, %dma_start3A_44] : memref<100000x64xf32, #tpu.memory_space<hbm>> -> memref<100000x64xf32, #tpu.memory_space<hbm>>
    tpu.enqueue_indirect_dma source(%dma_start3A_45 : memref<100000x64xf32, #tpu.memory_space<hbm>>) target(%arg9 : memref<128x64xf32, #tpu.memory_space<vmem>>) offsets(%dma_start3A_42 : memref<128xi32, #tpu.memory_space<vmem>>) semaphore(%arg13 : memref<!tpu.dma_semaphore, #tpu.memory_space<semaphore_mem>>)
    %iota3A = tpu.iota {dimensions = array<i32: 0>} : vector<16xi32>
    %add3A_46 = arith.constant 0 : i32
    %add3A_47 = vector.broadcast %add3A_46 : i32 to vector<16xi32>
    %add3A_48 = arith.addi %add3A_47, %iota3A : vector<16xi32>
    %jit3A_49 = arith.constant 8 : i32
    %div3A_50 = vector.broadcast %jit3A_49 : i32 to vector<16xi32>
    %div3A_51 = arith.divsi %add3A_48, %div3A_50 : vector<16xi32>
    %sign3A_52 = arith.constant 0 : i32
    %sign3A_53 = vector.broadcast %sign3A_52 : i32 to vector<16xi32>
    %sign3A_54 = arith.cmpi sgt, %add3A_48, %sign3A_53 : vector<16xi32>
    %sign3A_55 = arith.extui %sign3A_54 : vector<16xi1> to vector<16xi32>
    %sign3A_56 = arith.constant 0 : i32
    %sign3A_57 = vector.broadcast %sign3A_56 : i32 to vector<16xi32>
    %sign3A_58 = arith.cmpi slt, %add3A_48, %sign3A_57 : vector<16xi32>
    %sign3A_59 = arith.extui %sign3A_58 : vector<16xi1> to vector<16xi32>
    %sign3A_60 = arith.subi %sign3A_55, %sign3A_59 : vector<16xi32>
    %sign3A_61 = arith.constant 0 : i32
    %sign3A_62 = arith.cmpi sgt, %jit3A_49, %sign3A_61 : i32
    %sign3A_63 = arith.extui %sign3A_62 : i1 to i32
    %sign3A_64 = arith.constant 0 : i32
    %sign3A_65 = arith.cmpi slt, %jit3A_49, %sign3A_64 : i32
    %sign3A_66 = arith.extui %sign3A_65 : i1 to i32
    %sign3A_67 = arith.subi %sign3A_63, %sign3A_66 : i32
    %ne3A_68 = vector.broadcast %sign3A_67 : i32 to vector<16xi32>
    %ne3A_69 = arith.cmpi ne, %sign3A_60, %ne3A_68 : vector<16xi32>
    %rem3A_70 = vector.broadcast %jit3A_49 : i32 to vector<16xi32>
    %rem3A_71 = arith.remsi %add3A_48, %rem3A_70 : vector<16xi32>
    %ne3A_72 = arith.constant 0 : i32
    %ne3A_73 = vector.broadcast %ne3A_72 : i32 to vector<16xi32>
    %ne3A_74 = arith.cmpi ne, %rem3A_71, %ne3A_73 : vector<16xi32>
    %and3A_75 = arith.andi %ne3A_69, %ne3A_74 : vector<16xi1>
    %sub3A_76 = arith.constant 1 : i32
    %sub3A_77 = vector.broadcast %sub3A_76 : i32 to vector<16xi32>
    %sub3A_78 = arith.subi %div3A_51, %sub3A_77 : vector<16xi32>
    %select_n3A_79 = arith.select %and3A_75, %sub3A_78, %div3A_51 : vector<16xi1>, vector<16xi32>
    %add3A_80 = arith.constant 0 : i32
    %add3A_81 = vector.broadcast %add3A_80 : i32 to vector<16xi32>
    %add3A_82 = arith.addi %add3A_81, %iota3A : vector<16xi32>
    %jit3A_83 = arith.constant 8 : i32
    %eq3A_84 = arith.constant 0 : i32
    %eq3A_85 = arith.cmpi eq, %jit3A_83, %eq3A_84 : i32
    %jit3A_86 = arith.constant 1 : i32
    %select_n3A_87 = arith.select %eq3A_85, %jit3A_86, %jit3A_83 : i32
    %rem3A_88 = vector.broadcast %select_n3A_87 : i32 to vector<16xi32>
    %rem3A_89 = arith.remsi %add3A_82, %rem3A_88 : vector<16xi32>
    %ne3A_90 = arith.constant 0 : i32
    %ne3A_91 = vector.broadcast %ne3A_90 : i32 to vector<16xi32>
    %ne3A_92 = arith.cmpi ne, %rem3A_89, %ne3A_91 : vector<16xi32>
    %lt3A_93 = arith.constant 0 : i32
    %lt3A_94 = vector.broadcast %lt3A_93 : i32 to vector<16xi32>
    %lt3A_95 = arith.cmpi slt, %rem3A_89, %lt3A_94 : vector<16xi32>
    %lt3A_96 = arith.constant 0 : i32
    %lt3A_97 = arith.cmpi slt, %select_n3A_87, %lt3A_96 : i32
    %ne3A_98 = vector.broadcast %lt3A_97 : i1 to vector<16xi1>
    %ne3A_99 = vector.broadcast %ne3A_98 : vector<16xi1> to vector<16xi1>
    %ne3A_100 = arith.xori %lt3A_95, %ne3A_99 : vector<16xi1>
    %and3A_101 = arith.andi %ne3A_100, %ne3A_92 : vector<16xi1>
    %add3A_102 = vector.broadcast %select_n3A_87 : i32 to vector<16xi32>
    %add3A_103 = arith.addi %rem3A_89, %add3A_102 : vector<16xi32>
    %select_n3A_104 = arith.select %and3A_101, %add3A_103, %rem3A_89 : vector<16xi1>, vector<16xi32>
    %add3A_105 = arith.constant 16 : i32
    %add3A_106 = vector.broadcast %add3A_105 : i32 to vector<16xi32>
    %add3A_107 = arith.addi %add3A_106, %iota3A : vector<16xi32>
    %jit3A_108 = arith.constant 8 : i32
    %div3A_109 = vector.broadcast %jit3A_108 : i32 to vector<16xi32>
    %div3A_110 = arith.divsi %add3A_107, %div3A_109 : vector<16xi32>
    %sign3A_111 = arith.constant 0 : i32
    %sign3A_112 = vector.broadcast %sign3A_111 : i32 to vector<16xi32>
    %sign3A_113 = arith.cmpi sgt, %add3A_107, %sign3A_112 : vector<16xi32>
    %sign3A_114 = arith.extui %sign3A_113 : vector<16xi1> to vector<16xi32>
    %sign3A_115 = arith.constant 0 : i32
    %sign3A_116 = vector.broadcast %sign3A_115 : i32 to vector<16xi32>
    %sign3A_117 = arith.cmpi slt, %add3A_107, %sign3A_116 : vector<16xi32>
    %sign3A_118 = arith.extui %sign3A_117 : vector<16xi1> to vector<16xi32>
    %sign3A_119 = arith.subi %sign3A_114, %sign3A_118 : vector<16xi32>
    %sign3A_120 = arith.constant 0 : i32
    %sign3A_121 = arith.cmpi sgt, %jit3A_108, %sign3A_120 : i32
    %sign3A_122 = arith.extui %sign3A_121 : i1 to i32
    %sign3A_123 = arith.constant 0 : i32
    %sign3A_124 = arith.cmpi slt, %jit3A_108, %sign3A_123 : i32
    %sign3A_125 = arith.extui %sign3A_124 : i1 to i32
    %sign3A_126 = arith.subi %sign3A_122, %sign3A_125 : i32
    %ne3A_127 = vector.broadcast %sign3A_126 : i32 to vector<16xi32>
    %ne3A_128 = arith.cmpi ne, %sign3A_119, %ne3A_127 : vector<16xi32>
    %rem3A_129 = vector.broadcast %jit3A_108 : i32 to vector<16xi32>
    %rem3A_130 = arith.remsi %add3A_107, %rem3A_129 : vector<16xi32>
    %ne3A_131 = arith.constant 0 : i32
    %ne3A_132 = vector.broadcast %ne3A_131 : i32 to vector<16xi32>
    %ne3A_133 = arith.cmpi ne, %rem3A_130, %ne3A_132 : vector<16xi32>
    %and3A_134 = arith.andi %ne3A_128, %ne3A_133 : vector<16xi1>
    %sub3A_135 = arith.constant 1 : i32
    %sub3A_136 = vector.broadcast %sub3A_135 : i32 to vector<16xi32>
    %sub3A_137 = arith.subi %div3A_110, %sub3A_136 : vector<16xi32>
    %select_n3A_138 = arith.select %and3A_134, %sub3A_137, %div3A_110 : vector<16xi1>, vector<16xi32>
    %add3A_139 = arith.constant 16 : i32
    %add3A_140 = vector.broadcast %add3A_139 : i32 to vector<16xi32>
    %add3A_141 = arith.addi %add3A_140, %iota3A : vector<16xi32>
    %jit3A_142 = arith.constant 8 : i32
    %eq3A_143 = arith.constant 0 : i32
    %eq3A_144 = arith.cmpi eq, %jit3A_142, %eq3A_143 : i32
    %jit3A_145 = arith.constant 1 : i32
    %select_n3A_146 = arith.select %eq3A_144, %jit3A_145, %jit3A_142 : i32
    %rem3A_147 = vector.broadcast %select_n3A_146 : i32 to vector<16xi32>
    %rem3A_148 = arith.remsi %add3A_141, %rem3A_147 : vector<16xi32>
    %ne3A_149 = arith.constant 0 : i32
    %ne3A_150 = vector.broadcast %ne3A_149 : i32 to vector<16xi32>
    %ne3A_151 = arith.cmpi ne, %rem3A_148, %ne3A_150 : vector<16xi32>
    %lt3A_152 = arith.constant 0 : i32
    %lt3A_153 = vector.broadcast %lt3A_152 : i32 to vector<16xi32>
    %lt3A_154 = arith.cmpi slt, %rem3A_148, %lt3A_153 : vector<16xi32>
    %lt3A_155 = arith.constant 0 : i32
    %lt3A_156 = arith.cmpi slt, %select_n3A_146, %lt3A_155 : i32
    %ne3A_157 = vector.broadcast %lt3A_156 : i1 to vector<16xi1>
    %ne3A_158 = vector.broadcast %ne3A_157 : vector<16xi1> to vector<16xi1>
    %ne3A_159 = arith.xori %lt3A_154, %ne3A_158 : vector<16xi1>
    %and3A_160 = arith.andi %ne3A_159, %ne3A_151 : vector<16xi1>
    %add3A_161 = vector.broadcast %select_n3A_146 : i32 to vector<16xi32>
    %add3A_162 = arith.addi %rem3A_148, %add3A_161 : vector<16xi32>
    %select_n3A_163 = arith.select %and3A_160, %add3A_162, %rem3A_148 : vector<16xi1>, vector<16xi32>
    %add3A_164 = arith.constant 32 : i32
    %add3A_165 = vector.broadcast %add3A_164 : i32 to vector<16xi32>
    %add3A_166 = arith.addi %add3A_165, %iota3A : vector<16xi32>
    %jit3A_167 = arith.constant 8 : i32
    %div3A_168 = vector.broadcast %jit3A_167 : i32 to vector<16xi32>
    %div3A_169 = arith.divsi %add3A_166, %div3A_168 : vector<16xi32>
    %sign3A_170 = arith.constant 0 : i32
    %sign3A_171 = vector.broadcast %sign3A_170 : i32 to vector<16xi32>
    %sign3A_172 = arith.cmpi sgt, %add3A_166, %sign3A_171 : vector<16xi32>
    %sign3A_173 = arith.extui %sign3A_172 : vector<16xi1> to vector<16xi32>
    %sign3A_174 = arith.constant 0 : i32
    %sign3A_175 = vector.broadcast %sign3A_174 : i32 to vector<16xi32>
    %sign3A_176 = arith.cmpi slt, %add3A_166, %sign3A_175 : vector<16xi32>
    %sign3A_177 = arith.extui %sign3A_176 : vector<16xi1> to vector<16xi32>
    %sign3A_178 = arith.subi %sign3A_173, %sign3A_177 : vector<16xi32>
    %sign3A_179 = arith.constant 0 : i32
    %sign3A_180 = arith.cmpi sgt, %jit3A_167, %sign3A_179 : i32
    %sign3A_181 = arith.extui %sign3A_180 : i1 to i32
    %sign3A_182 = arith.constant 0 : i32
    %sign3A_183 = arith.cmpi slt, %jit3A_167, %sign3A_182 : i32
    %sign3A_184 = arith.extui %sign3A_183 : i1 to i32
    %sign3A_185 = arith.subi %sign3A_181, %sign3A_184 : i32
    %ne3A_186 = vector.broadcast %sign3A_185 : i32 to vector<16xi32>
    %ne3A_187 = arith.cmpi ne, %sign3A_178, %ne3A_186 : vector<16xi32>
    %rem3A_188 = vector.broadcast %jit3A_167 : i32 to vector<16xi32>
    %rem3A_189 = arith.remsi %add3A_166, %rem3A_188 : vector<16xi32>
    %ne3A_190 = arith.constant 0 : i32
    %ne3A_191 = vector.broadcast %ne3A_190 : i32 to vector<16xi32>
    %ne3A_192 = arith.cmpi ne, %rem3A_189, %ne3A_191 : vector<16xi32>
    %and3A_193 = arith.andi %ne3A_187, %ne3A_192 : vector<16xi1>
    %sub3A_194 = arith.constant 1 : i32
    %sub3A_195 = vector.broadcast %sub3A_194 : i32 to vector<16xi32>
    %sub3A_196 = arith.subi %div3A_169, %sub3A_195 : vector<16xi32>
    %select_n3A_197 = arith.select %and3A_193, %sub3A_196, %div3A_169 : vector<16xi1>, vector<16xi32>
    %add3A_198 = arith.constant 32 : i32
    %add3A_199 = vector.broadcast %add3A_198 : i32 to vector<16xi32>
    %add3A_200 = arith.addi %add3A_199, %iota3A : vector<16xi32>
    %jit3A_201 = arith.constant 8 : i32
    %eq3A_202 = arith.constant 0 : i32
    %eq3A_203 = arith.cmpi eq, %jit3A_201, %eq3A_202 : i32
    %jit3A_204 = arith.constant 1 : i32
    %select_n3A_205 = arith.select %eq3A_203, %jit3A_204, %jit3A_201 : i32
    %rem3A_206 = vector.broadcast %select_n3A_205 : i32 to vector<16xi32>
    %rem3A_207 = arith.remsi %add3A_200, %rem3A_206 : vector<16xi32>
    %ne3A_208 = arith.constant 0 : i32
    %ne3A_209 = vector.broadcast %ne3A_208 : i32 to vector<16xi32>
    %ne3A_210 = arith.cmpi ne, %rem3A_207, %ne3A_209 : vector<16xi32>
    %lt3A_211 = arith.constant 0 : i32
    %lt3A_212 = vector.broadcast %lt3A_211 : i32 to vector<16xi32>
    %lt3A_213 = arith.cmpi slt, %rem3A_207, %lt3A_212 : vector<16xi32>
    %lt3A_214 = arith.constant 0 : i32
    %lt3A_215 = arith.cmpi slt, %select_n3A_205, %lt3A_214 : i32
    %ne3A_216 = vector.broadcast %lt3A_215 : i1 to vector<16xi1>
    %ne3A_217 = vector.broadcast %ne3A_216 : vector<16xi1> to vector<16xi1>
    %ne3A_218 = arith.xori %lt3A_213, %ne3A_217 : vector<16xi1>
    %and3A_219 = arith.andi %ne3A_218, %ne3A_210 : vector<16xi1>
    %add3A_220 = vector.broadcast %select_n3A_205 : i32 to vector<16xi32>
    %add3A_221 = arith.addi %rem3A_207, %add3A_220 : vector<16xi32>
    %select_n3A_222 = arith.select %and3A_219, %add3A_221, %rem3A_207 : vector<16xi1>, vector<16xi32>
    %add3A_223 = arith.constant 48 : i32
    %add3A_224 = vector.broadcast %add3A_223 : i32 to vector<16xi32>
    %add3A_225 = arith.addi %add3A_224, %iota3A : vector<16xi32>
    %jit3A_226 = arith.constant 8 : i32
    %div3A_227 = vector.broadcast %jit3A_226 : i32 to vector<16xi32>
    %div3A_228 = arith.divsi %add3A_225, %div3A_227 : vector<16xi32>
    %sign3A_229 = arith.constant 0 : i32
    %sign3A_230 = vector.broadcast %sign3A_229 : i32 to vector<16xi32>
    %sign3A_231 = arith.cmpi sgt, %add3A_225, %sign3A_230 : vector<16xi32>
    %sign3A_232 = arith.extui %sign3A_231 : vector<16xi1> to vector<16xi32>
    %sign3A_233 = arith.constant 0 : i32
    %sign3A_234 = vector.broadcast %sign3A_233 : i32 to vector<16xi32>
    %sign3A_235 = arith.cmpi slt, %add3A_225, %sign3A_234 : vector<16xi32>
    %sign3A_236 = arith.extui %sign3A_235 : vector<16xi1> to vector<16xi32>
    %sign3A_237 = arith.subi %sign3A_232, %sign3A_236 : vector<16xi32>
    %sign3A_238 = arith.constant 0 : i32
    %sign3A_239 = arith.cmpi sgt, %jit3A_226, %sign3A_238 : i32
    %sign3A_240 = arith.extui %sign3A_239 : i1 to i32
    %sign3A_241 = arith.constant 0 : i32
    %sign3A_242 = arith.cmpi slt, %jit3A_226, %sign3A_241 : i32
    %sign3A_243 = arith.extui %sign3A_242 : i1 to i32
    %sign3A_244 = arith.subi %sign3A_240, %sign3A_243 : i32
    %ne3A_245 = vector.broadcast %sign3A_244 : i32 to vector<16xi32>
    %ne3A_246 = arith.cmpi ne, %sign3A_237, %ne3A_245 : vector<16xi32>
    %rem3A_247 = vector.broadcast %jit3A_226 : i32 to vector<16xi32>
    %rem3A_248 = arith.remsi %add3A_225, %rem3A_247 : vector<16xi32>
    %ne3A_249 = arith.constant 0 : i32
    %ne3A_250 = vector.broadcast %ne3A_249 : i32 to vector<16xi32>
    %ne3A_251 = arith.cmpi ne, %rem3A_248, %ne3A_250 : vector<16xi32>
    %and3A_252 = arith.andi %ne3A_246, %ne3A_251 : vector<16xi1>
    %sub3A_253 = arith.constant 1 : i32
    %sub3A_254 = vector.broadcast %sub3A_253 : i32 to vector<16xi32>
    %sub3A_255 = arith.subi %div3A_228, %sub3A_254 : vector<16xi32>
    %select_n3A_256 = arith.select %and3A_252, %sub3A_255, %div3A_228 : vector<16xi1>, vector<16xi32>
    %add3A_257 = arith.constant 48 : i32
    %add3A_258 = vector.broadcast %add3A_257 : i32 to vector<16xi32>
    %add3A_259 = arith.addi %add3A_258, %iota3A : vector<16xi32>
    %jit3A_260 = arith.constant 8 : i32
    %eq3A_261 = arith.constant 0 : i32
    %eq3A_262 = arith.cmpi eq, %jit3A_260, %eq3A_261 : i32
    %jit3A_263 = arith.constant 1 : i32
    %select_n3A_264 = arith.select %eq3A_262, %jit3A_263, %jit3A_260 : i32
    %rem3A_265 = vector.broadcast %select_n3A_264 : i32 to vector<16xi32>
    %rem3A_266 = arith.remsi %add3A_259, %rem3A_265 : vector<16xi32>
    %ne3A_267 = arith.constant 0 : i32
    %ne3A_268 = vector.broadcast %ne3A_267 : i32 to vector<16xi32>
    %ne3A_269 = arith.cmpi ne, %rem3A_266, %ne3A_268 : vector<16xi32>
    %lt3A_270 = arith.constant 0 : i32
    %lt3A_271 = vector.broadcast %lt3A_270 : i32 to vector<16xi32>
    %lt3A_272 = arith.cmpi slt, %rem3A_266, %lt3A_271 : vector<16xi32>
    %lt3A_273 = arith.constant 0 : i32
    %lt3A_274 = arith.cmpi slt, %select_n3A_264, %lt3A_273 : i32
    %ne3A_275 = vector.broadcast %lt3A_274 : i1 to vector<16xi1>
    %ne3A_276 = vector.broadcast %ne3A_275 : vector<16xi1> to vector<16xi1>
    %ne3A_277 = arith.xori %lt3A_272, %ne3A_276 : vector<16xi1>
    %and3A_278 = arith.andi %ne3A_277, %ne3A_269 : vector<16xi1>
    %add3A_279 = vector.broadcast %select_n3A_264 : i32 to vector<16xi32>
    %add3A_280 = arith.addi %rem3A_266, %add3A_279 : vector<16xi32>
    %select_n3A_281 = arith.select %and3A_278, %add3A_280, %rem3A_266 : vector<16xi1>, vector<16xi32>
    %scan3A = arith.constant 0 : i32
    %scan3A_282 = arith.constant 0 : i32
    %scan3A_283 = arith.constant 25 : i32
    %scan3A_284 = arith.addi %scan3A_282, %scan3A_283 : i32
    %scan3A_285 = arith.constant 1 : i32
    %scan3A_286 = scf.for %scan3A_325 = %scan3A_282 to %scan3A_284 step %scan3A_285 iter_args(%scan3A_326 = %scan3A) -> (i32)  : i32 {
      %mul3A_327 = arith.constant 2 : i32
      %mul3A_328 = arith.muli %mul3A_327, %scan3A_325 : i32
      %add3A_329 = arith.constant 0 : i32
      %add3A_330 = arith.addi %mul3A_328, %add3A_329 : i32
      %dma_wait3A_331 = arith.constant 0 : i32
      %dma_wait3A_332 = arith.constant 0 : i32
      %dma_wait3A_333 = tpu.memref_slice %arg7[%dma_wait3A_331, %dma_wait3A_332] : memref<50x128xi32, #tpu.memory_space<vmem>> -> memref<1x128xi32, #tpu.memory_space<vmem>>
      %dma_wait3A_334 = tpu.memref_squeeze %dma_wait3A_333 : memref<1x128xi32, #tpu.memory_space<vmem>> -> memref<128xi32, #tpu.memory_space<vmem>>
      %dma_wait3A_335 = arith.constant 0 : i32
      %dma_wait3A_336 = arith.constant 0 : i32
      %dma_wait3A_337 = tpu.memref_slice %arg3[%dma_wait3A_335, %dma_wait3A_336] : memref<100000x64xf32, #tpu.memory_space<hbm>> -> memref<100000x64xf32, #tpu.memory_space<hbm>>
      tpu.wait_indirect_dma semaphore(%arg12 : memref<!tpu.dma_semaphore, #tpu.memory_space<semaphore_mem>>) src(%dma_wait3A_337 : memref<100000x64xf32, #tpu.memory_space<hbm>>) dst(%arg8 : memref<128x64xf32, #tpu.memory_space<vmem>>)
      %gt3A = arith.constant 0 : i32
      %gt3A_338 = arith.cmpi sgt, %scan3A_325, %gt3A : i32
      %convert_element_type3A = arith.extui %gt3A_338 : i1 to i32
      %cond3A = arith.constant 0 : i32
      %cond3A_339 = arith.cmpi ne, %convert_element_type3A, %cond3A : i32
      scf.if %cond3A_339 {
        %dma_wait3A_444 = arith.constant 0 : i32
        %dma_wait3A_445 = arith.constant 0 : i32
        %dma_wait3A_446 = arith.constant 0 : i32
        %dma_wait3A_447 = arith.constant 0 : i32
        %dma_wait3A_448 = tpu.memref_slice %arg10[%dma_wait3A_445, %dma_wait3A_446, %dma_wait3A_447] : memref<8x8x136xf32, #tpu.memory_space<vmem>> -> memref<8x8x128xf32, #tpu.memory_space<vmem>>
        %dma_wait3A_449 = arith.constant 0 : i32
        %dma_wait3A_450 = arith.constant 0 : i32
        %dma_wait3A_451 = arith.constant 0 : i32
        %dma_wait3A_452 = tpu.memref_slice %arg5[%dma_wait3A_444, %dma_wait3A_449, %select_n3A_30, %dma_wait3A_450, %dma_wait3A_451] : memref<200x8x8x8x128xf32, #tpu.memory_space<hbm>> -> memref<1x8x1x8x128xf32, #tpu.memory_space<hbm>>
        %dma_wait3A_453 = tpu.memref_squeeze %dma_wait3A_452 : memref<1x8x1x8x128xf32, #tpu.memory_space<hbm>> -> memref<8x8x128xf32, #tpu.memory_space<hbm>>
        %dma_wait3A_454 = arith.constant 0 : i32
        %dma_wait3A_455 = arith.constant 0 : i32
        %dma_wait3A_456 = arith.constant 0 : i32
        %dma_wait3A_457 = tpu.memref_slice %arg5[%dma_wait3A_444, %dma_wait3A_454, %select_n3A_30, %dma_wait3A_455, %dma_wait3A_456] : memref<200x8x8x8x128xf32, #tpu.memory_space<hbm>> -> memref<1x8x1x8x128xf32, #tpu.memory_space<hbm>>
        %dma_wait3A_458 = tpu.memref_squeeze %dma_wait3A_457 : memref<1x8x1x8x128xf32, #tpu.memory_space<hbm>> -> memref<8x8x128xf32, #tpu.memory_space<hbm>>
        %dma_wait3A_459 = arith.constant 0 : i32
        %dma_wait3A_460 = arith.constant 0 : i32
        %dma_wait3A_461 = arith.constant 0 : i32
        %dma_wait3A_462 = tpu.memref_slice %arg10[%dma_wait3A_459, %dma_wait3A_460, %dma_wait3A_461] : memref<8x8x136xf32, #tpu.memory_space<vmem>> -> memref<8x8x128xf32, #tpu.memory_space<vmem>>
        tpu.wait_dma2 semaphore(%arg14 : memref<!tpu.dma_semaphore, #tpu.memory_space<semaphore_mem>>) src(%dma_wait3A_462 : memref<8x8x128xf32, #tpu.memory_space<vmem>>) dst(%dma_wait3A_458 : memref<8x8x128xf32, #tpu.memory_space<hbm>>)
      } else {
      }
      %add3A_340 = arith.addi %mul3A_32, %add3A_330 : i32
      %get3A = arith.index_cast %add3A_340 : i32 to index
      %get3A_341 = arith.constant 0 : index
      %get3A_342 = tpu.vector_load %arg6[%get3A, %get3A_341] {strides = array<i32>} : memref<200x64xf32, #tpu.memory_space<vmem>>, vector<16xf32>,
      %get3A_343 = arith.index_cast %add3A_340 : i32 to index
      %get3A_344 = arith.constant 16 : index
      %get3A_345 = tpu.vector_load %arg6[%get3A_343, %get3A_344] {strides = array<i32>} : memref<200x64xf32, #tpu.memory_space<vmem>>, vector<16xf32>,
      %get3A_346 = arith.index_cast %add3A_340 : i32 to index
      %get3A_347 = arith.constant 32 : index
      %get3A_348 = tpu.vector_load %arg6[%get3A_346, %get3A_347] {strides = array<i32>} : memref<200x64xf32, #tpu.memory_space<vmem>>, vector<16xf32>,
      %get3A_349 = arith.index_cast %add3A_340 : i32 to index
      %get3A_350 = arith.constant 48 : index
      %get3A_351 = tpu.vector_load %arg6[%get3A_349, %get3A_350] {strides = array<i32>} : memref<200x64xf32, #tpu.memory_space<vmem>>, vector<16xf32>,
      %scan3A_352 = arith.constant 0 : i32
      %scan3A_353 = arith.constant 0 : i32
      %scan3A_354 = arith.constant 128 : i32
      %scan3A_355 = arith.addi %scan3A_353, %scan3A_354 : i32
      %scan3A_356 = arith.constant 4 : i32
      %scan3A_357 = scf.for %scan3A_444 = %scan3A_353 to %scan3A_355 step %scan3A_356 iter_args(%scan3A_445 = %scan3A_352) -> (i32)  : i32 {
        %broadcast_in_dim3A = vector.broadcast %scan3A_444 : i32 to vector<16xi32>
        %get3A_446 = arith.index_cast %scan3A_444 : i32 to index
        %get3A_447 = arith.constant 0 : index
        %get3A_448 = tpu.vector_load %arg8[%get3A_446, %get3A_447] {strides = array<i32>} : memref<128x64xf32, #tpu.memory_space<vmem>>, vector<16xf32>,
        %add3A_449 = arith.addf %get3A_448, %get3A_342 : vector<16xf32>
        tpu.vector_store_idx %arg10[%select_n3A_79, %select_n3A_104, %broadcast_in_dim3A], %add3A_449 : memref<8x8x136xf32, #tpu.memory_space<vmem>>[vector<16xi32>, vector<16xi32>, vector<16xi32>], vector<16xf32>,
        %get3A_450 = arith.index_cast %scan3A_444 : i32 to index
        %get3A_451 = arith.constant 16 : index
        %get3A_452 = tpu.vector_load %arg8[%get3A_450, %get3A_451] {strides = array<i32>} : memref<128x64xf32, #tpu.memory_space<vmem>>, vector<16xf32>,
        %add3A_453 = arith.addf %get3A_452, %get3A_345 : vector<16xf32>
        tpu.vector_store_idx %arg10[%select_n3A_138, %select_n3A_163, %broadcast_in_dim3A], %add3A_453 : memref<8x8x136xf32, #tpu.memory_space<vmem>>[vector<16xi32>, vector<16xi32>, vector<16xi32>], vector<16xf32>,
        %get3A_454 = arith.index_cast %scan3A_444 : i32 to index
        %get3A_455 = arith.constant 32 : index
        %get3A_456 = tpu.vector_load %arg8[%get3A_454, %get3A_455] {strides = array<i32>} : memref<128x64xf32, #tpu.memory_space<vmem>>, vector<16xf32>,
        %add3A_457 = arith.addf %get3A_456, %get3A_348 : vector<16xf32>
        tpu.vector_store_idx %arg10[%select_n3A_197, %select_n3A_222, %broadcast_in_dim3A], %add3A_457 : memref<8x8x136xf32, #tpu.memory_space<vmem>>[vector<16xi32>, vector<16xi32>, vector<16xi32>], vector<16xf32>,
        %get3A_458 = arith.index_cast %scan3A_444 : i32 to index
        %get3A_459 = arith.constant 48 : index
        %get3A_460 = tpu.vector_load %arg8[%get3A_458, %get3A_459] {strides = array<i32>} : memref<128x64xf32, #tpu.memory_space<vmem>>, vector<16xf32>,
        %add3A_461 = arith.addf %get3A_460, %get3A_351 : vector<16xf32>
        tpu.vector_store_idx %arg10[%select_n3A_256, %select_n3A_281, %broadcast_in_dim3A], %add3A_461 : memref<8x8x136xf32, #tpu.memory_space<vmem>>[vector<16xi32>, vector<16xi32>, vector<16xi32>], vector<16xf32>,
        %scan3A_462 = arith.constant 0 : i32
        %scan3A_463 = arith.constant 1 : i32
        %scan3A_464 = arith.addi %scan3A_444, %scan3A_463 : i32
        %broadcast_in_dim3A_465 = vector.broadcast %scan3A_464 : i32 to vector<16xi32>
        %get3A_466 = arith.index_cast %scan3A_464 : i32 to index
        %get3A_467 = arith.constant 0 : index
        %get3A_468 = tpu.vector_load %arg8[%get3A_466, %get3A_467] {strides = array<i32>} : memref<128x64xf32, #tpu.memory_space<vmem>>, vector<16xf32>,
        %add3A_469 = arith.addf %get3A_468, %get3A_342 : vector<16xf32>
        tpu.vector_store_idx %arg10[%select_n3A_79, %select_n3A_104, %broadcast_in_dim3A_465], %add3A_469 : memref<8x8x136xf32, #tpu.memory_space<vmem>>[vector<16xi32>, vector<16xi32>, vector<16xi32>], vector<16xf32>,
        %get3A_470 = arith.index_cast %scan3A_464 : i32 to index
        %get3A_471 = arith.constant 16 : index
        %get3A_472 = tpu.vector_load %arg8[%get3A_470, %get3A_471] {strides = array<i32>} : memref<128x64xf32, #tpu.memory_space<vmem>>, vector<16xf32>,
        %add3A_473 = arith.addf %get3A_472, %get3A_345 : vector<16xf32>
        tpu.vector_store_idx %arg10[%select_n3A_138, %select_n3A_163, %broadcast_in_dim3A_465], %add3A_473 : memref<8x8x136xf32, #tpu.memory_space<vmem>>[vector<16xi32>, vector<16xi32>, vector<16xi32>], vector<16xf32>,
        %get3A_474 = arith.index_cast %scan3A_464 : i32 to index
        %get3A_475 = arith.constant 32 : index
        %get3A_476 = tpu.vector_load %arg8[%get3A_474, %get3A_475] {strides = array<i32>} : memref<128x64xf32, #tpu.memory_space<vmem>>, vector<16xf32>,
        %add3A_477 = arith.addf %get3A_476, %get3A_348 : vector<16xf32>
        tpu.vector_store_idx %arg10[%select_n3A_197, %select_n3A_222, %broadcast_in_dim3A_465], %add3A_477 : memref<8x8x136xf32, #tpu.memory_space<vmem>>[vector<16xi32>, vector<16xi32>, vector<16xi32>], vector<16xf32>,
        %get3A_478 = arith.index_cast %scan3A_464 : i32 to index
        %get3A_479 = arith.constant 48 : index
        %get3A_480 = tpu.vector_load %arg8[%get3A_478, %get3A_479] {strides = array<i32>} : memref<128x64xf32, #tpu.memory_space<vmem>>, vector<16xf32>,
        %add3A_481 = arith.addf %get3A_480, %get3A_351 : vector<16xf32>
        tpu.vector_store_idx %arg10[%select_n3A_256, %select_n3A_281, %broadcast_in_dim3A_465], %add3A_481 : memref<8x8x136xf32, #tpu.memory_space<vmem>>[vector<16xi32>, vector<16xi32>, vector<16xi32>], vector<16xf32>,
        %scan3A_482 = arith.constant 0 : i32
        %scan3A_483 = arith.constant 2 : i32
        %scan3A_484 = arith.addi %scan3A_444, %scan3A_483 : i32
        %broadcast_in_dim3A_485 = vector.broadcast %scan3A_484 : i32 to vector<16xi32>
        %get3A_486 = arith.index_cast %scan3A_484 : i32 to index
        %get3A_487 = arith.constant 0 : index
        %get3A_488 = tpu.vector_load %arg8[%get3A_486, %get3A_487] {strides = array<i32>} : memref<128x64xf32, #tpu.memory_space<vmem>>, vector<16xf32>,
        %add3A_489 = arith.addf %get3A_488, %get3A_342 : vector<16xf32>
        tpu.vector_store_idx %arg10[%select_n3A_79, %select_n3A_104, %broadcast_in_dim3A_485], %add3A_489 : memref<8x8x136xf32, #tpu.memory_space<vmem>>[vector<16xi32>, vector<16xi32>, vector<16xi32>], vector<16xf32>,
        %get3A_490 = arith.index_cast %scan3A_484 : i32 to index
        %get3A_491 = arith.constant 16 : index
        %get3A_492 = tpu.vector_load %arg8[%get3A_490, %get3A_491] {strides = array<i32>} : memref<128x64xf32, #tpu.memory_space<vmem>>, vector<16xf32>,
        %add3A_493 = arith.addf %get3A_492, %get3A_345 : vector<16xf32>
        tpu.vector_store_idx %arg10[%select_n3A_138, %select_n3A_163, %broadcast_in_dim3A_485], %add3A_493 : memref<8x8x136xf32, #tpu.memory_space<vmem>>[vector<16xi32>, vector<16xi32>, vector<16xi32>], vector<16xf32>,
        %get3A_494 = arith.index_cast %scan3A_484 : i32 to index
        %get3A_495 = arith.constant 32 : index
        %get3A_496 = tpu.vector_load %arg8[%get3A_494, %get3A_495] {strides = array<i32>} : memref<128x64xf32, #tpu.memory_space<vmem>>, vector<16xf32>,
        %add3A_497 = arith.addf %get3A_496, %get3A_348 : vector<16xf32>
        tpu.vector_store_idx %arg10[%select_n3A_197, %select_n3A_222, %broadcast_in_dim3A_485], %add3A_497 : memref<8x8x136xf32, #tpu.memory_space<vmem>>[vector<16xi32>, vector<16xi32>, vector<16xi32>], vector<16xf32>,
        %get3A_498 = arith.index_cast %scan3A_484 : i32 to index
        %get3A_499 = arith.constant 48 : index
        %get3A_500 = tpu.vector_load %arg8[%get3A_498, %get3A_499] {strides = array<i32>} : memref<128x64xf32, #tpu.memory_space<vmem>>, vector<16xf32>,
        %add3A_501 = arith.addf %get3A_500, %get3A_351 : vector<16xf32>
        tpu.vector_store_idx %arg10[%select_n3A_256, %select_n3A_281, %broadcast_in_dim3A_485], %add3A_501 : memref<8x8x136xf32, #tpu.memory_space<vmem>>[vector<16xi32>, vector<16xi32>, vector<16xi32>], vector<16xf32>,
        %scan3A_502 = arith.constant 0 : i32
        %scan3A_503 = arith.constant 3 : i32
        %scan3A_504 = arith.addi %scan3A_444, %scan3A_503 : i32
        %broadcast_in_dim3A_505 = vector.broadcast %scan3A_504 : i32 to vector<16xi32>
        %get3A_506 = arith.index_cast %scan3A_504 : i32 to index
        %get3A_507 = arith.constant 0 : index
        %get3A_508 = tpu.vector_load %arg8[%get3A_506, %get3A_507] {strides = array<i32>} : memref<128x64xf32, #tpu.memory_space<vmem>>, vector<16xf32>,
        %add3A_509 = arith.addf %get3A_508, %get3A_342 : vector<16xf32>
        tpu.vector_store_idx %arg10[%select_n3A_79, %select_n3A_104, %broadcast_in_dim3A_505], %add3A_509 : memref<8x8x136xf32, #tpu.memory_space<vmem>>[vector<16xi32>, vector<16xi32>, vector<16xi32>], vector<16xf32>,
        %get3A_510 = arith.index_cast %scan3A_504 : i32 to index
        %get3A_511 = arith.constant 16 : index
        %get3A_512 = tpu.vector_load %arg8[%get3A_510, %get3A_511] {strides = array<i32>} : memref<128x64xf32, #tpu.memory_space<vmem>>, vector<16xf32>,
        %add3A_513 = arith.addf %get3A_512, %get3A_345 : vector<16xf32>
        tpu.vector_store_idx %arg10[%select_n3A_138, %select_n3A_163, %broadcast_in_dim3A_505], %add3A_513 : memref<8x8x136xf32, #tpu.memory_space<vmem>>[vector<16xi32>, vector<16xi32>, vector<16xi32>], vector<16xf32>,
        %get3A_514 = arith.index_cast %scan3A_504 : i32 to index
        %get3A_515 = arith.constant 32 : index
        %get3A_516 = tpu.vector_load %arg8[%get3A_514, %get3A_515] {strides = array<i32>} : memref<128x64xf32, #tpu.memory_space<vmem>>, vector<16xf32>,
        %add3A_517 = arith.addf %get3A_516, %get3A_348 : vector<16xf32>
        tpu.vector_store_idx %arg10[%select_n3A_197, %select_n3A_222, %broadcast_in_dim3A_505], %add3A_517 : memref<8x8x136xf32, #tpu.memory_space<vmem>>[vector<16xi32>, vector<16xi32>, vector<16xi32>], vector<16xf32>,
        %get3A_518 = arith.index_cast %scan3A_504 : i32 to index
        %get3A_519 = arith.constant 48 : index
        %get3A_520 = tpu.vector_load %arg8[%get3A_518, %get3A_519] {strides = array<i32>} : memref<128x64xf32, #tpu.memory_space<vmem>>, vector<16xf32>,
        %add3A_521 = arith.addf %get3A_520, %get3A_351 : vector<16xf32>
        tpu.vector_store_idx %arg10[%select_n3A_256, %select_n3A_281, %broadcast_in_dim3A_505], %add3A_521 : memref<8x8x136xf32, #tpu.memory_space<vmem>>[vector<16xi32>, vector<16xi32>, vector<16xi32>], vector<16xf32>,
        %scan3A_522 = arith.constant 0 : i32
        scf.yield %scan3A_522 : i32
      }
      %scan3A_358 = arith.constant 128 : i32
      %add3A_359 = arith.addi %mul3A_32, %add3A_330 : i32
      %dma_start3A_360 = arith.constant 0 : i32
      %dma_start3A_361 = arith.constant 0 : i32
      %dma_start3A_362 = arith.constant 0 : i32
      %dma_start3A_363 = tpu.memref_slice %arg10[%dma_start3A_360, %dma_start3A_361, %dma_start3A_362] : memref<8x8x136xf32, #tpu.memory_space<vmem>> -> memref<8x8x128xf32, #tpu.memory_space<vmem>>
      %dma_start3A_364 = arith.constant 0 : i32
      %dma_start3A_365 = arith.constant 0 : i32
      %dma_start3A_366 = arith.constant 0 : i32
      %dma_start3A_367 = tpu.memref_slice %arg5[%add3A_359, %dma_start3A_364, %select_n3A_30, %dma_start3A_365, %dma_start3A_366] : memref<200x8x8x8x128xf32, #tpu.memory_space<hbm>> -> memref<1x8x1x8x128xf32, #tpu.memory_space<hbm>>
      %dma_start3A_368 = tpu.memref_squeeze %dma_start3A_367 : memref<1x8x1x8x128xf32, #tpu.memory_space<hbm>> -> memref<8x8x128xf32, #tpu.memory_space<hbm>>
      %dma_start3A_369 = arith.constant 0 : i32
      %dma_start3A_370 = arith.constant 0 : i32
      %dma_start3A_371 = arith.constant 0 : i32
      %dma_start3A_372 = tpu.memref_slice %arg5[%add3A_359, %dma_start3A_369, %select_n3A_30, %dma_start3A_370, %dma_start3A_371] : memref<200x8x8x8x128xf32, #tpu.memory_space<hbm>> -> memref<1x8x1x8x128xf32, #tpu.memory_space<hbm>>
      %dma_start3A_373 = tpu.memref_squeeze %dma_start3A_372 : memref<1x8x1x8x128xf32, #tpu.memory_space<hbm>> -> memref<8x8x128xf32, #tpu.memory_space<hbm>>
      %dma_start3A_374 = arith.constant 0 : i32
      %dma_start3A_375 = arith.constant 0 : i32
      %dma_start3A_376 = arith.constant 0 : i32
      %dma_start3A_377 = tpu.memref_slice %arg10[%dma_start3A_374, %dma_start3A_375, %dma_start3A_376] : memref<8x8x136xf32, #tpu.memory_space<vmem>> -> memref<8x8x128xf32, #tpu.memory_space<vmem>>
      tpu.enqueue_dma source(%dma_start3A_377 : memref<8x8x128xf32, #tpu.memory_space<vmem>>) target(%dma_start3A_373 : memref<8x8x128xf32, #tpu.memory_space<hbm>>) target_semaphore(%arg14 : memref<!tpu.dma_semaphore, #tpu.memory_space<semaphore_mem>>)
      %lt3A_378 = arith.constant 24 : i32
      %lt3A_379 = arith.cmpi slt, %scan3A_325, %lt3A_378 : i32
      %convert_element_type3A_380 = arith.extui %lt3A_379 : i1 to i32
      %cond3A_381 = arith.constant 0 : i32
      %cond3A_382 = arith.cmpi ne, %convert_element_type3A_380, %cond3A_381 : i32
      scf.if %cond3A_382 {
        %add3A_444 = arith.constant 2 : i32
        %add3A_445 = arith.addi %add3A_330, %add3A_444 : i32
        %dma_start3A_446 = arith.constant 0 : i32
        %dma_start3A_447 = tpu.memref_slice %arg7[%add3A_445, %dma_start3A_446] : memref<50x128xi32, #tpu.memory_space<vmem>> -> memref<1x128xi32, #tpu.memory_space<vmem>>
        %dma_start3A_448 = tpu.memref_squeeze %dma_start3A_447 : memref<1x128xi32, #tpu.memory_space<vmem>> -> memref<128xi32, #tpu.memory_space<vmem>>
        %dma_start3A_449 = arith.constant 0 : i32
        %dma_start3A_450 = arith.constant 0 : i32
        %dma_start3A_451 = tpu.memref_slice %arg3[%dma_start3A_449, %dma_start3A_450] : memref<100000x64xf32, #tpu.memory_space<hbm>> -> memref<100000x64xf32, #tpu.memory_space<hbm>>
        tpu.enqueue_indirect_dma source(%dma_start3A_451 : memref<100000x64xf32, #tpu.memory_space<hbm>>) target(%arg8 : memref<128x64xf32, #tpu.memory_space<vmem>>) offsets(%dma_start3A_448 : memref<128xi32, #tpu.memory_space<vmem>>) semaphore(%arg12 : memref<!tpu.dma_semaphore, #tpu.memory_space<semaphore_mem>>)
      } else {
      }
      %mul3A_383 = arith.constant 2 : i32
      %mul3A_384 = arith.muli %mul3A_383, %scan3A_325 : i32
      %add3A_385 = arith.constant 1 : i32
      %add3A_386 = arith.addi %mul3A_384, %add3A_385 : i32
      %dma_wait3A_387 = arith.constant 0 : i32
      %dma_wait3A_388 = arith.constant 0 : i32
      %dma_wait3A_389 = tpu.memref_slice %arg7[%dma_wait3A_387, %dma_wait3A_388] : memref<50x128xi32, #tpu.memory_space<vmem>> -> memref<1x128xi32, #tpu.memory_space<vmem>>
      %dma_wait3A_390 = tpu.memref_squeeze %dma_wait3A_389 : memref<1x128xi32, #tpu.memory_space<vmem>> -> memref<128xi32, #tpu.memory_space<vmem>>
      %dma_wait3A_391 = arith.constant 0 : i32
      %dma_wait3A_392 = arith.constant 0 : i32
      %dma_wait3A_393 = tpu.memref_slice %arg3[%dma_wait3A_391, %dma_wait3A_392] : memref<100000x64xf32, #tpu.memory_space<hbm>> -> memref<100000x64xf32, #tpu.memory_space<hbm>>
      tpu.wait_indirect_dma semaphore(%arg13 : memref<!tpu.dma_semaphore, #tpu.memory_space<semaphore_mem>>) src(%dma_wait3A_393 : memref<100000x64xf32, #tpu.memory_space<hbm>>) dst(%arg9 : memref<128x64xf32, #tpu.memory_space<vmem>>)
      %gt3A_394 = arith.constant 0 : i32
      %gt3A_395 = arith.cmpi sgt, %scan3A_325, %gt3A_394 : i32
      %convert_element_type3A_396 = arith.extui %gt3A_395 : i1 to i32
      %cond3A_397 = arith.constant 0 : i32
      %cond3A_398 = arith.cmpi ne, %convert_element_type3A_396, %cond3A_397 : i32
      scf.if %cond3A_398 {
        %dma_wait3A_444 = arith.constant 0 : i32
        %dma_wait3A_445 = arith.constant 0 : i32
        %dma_wait3A_446 = arith.constant 0 : i32
        %dma_wait3A_447 = arith.constant 0 : i32
        %dma_wait3A_448 = tpu.memref_slice %arg11[%dma_wait3A_445, %dma_wait3A_446, %dma_wait3A_447] : memref<8x8x136xf32, #tpu.memory_space<vmem>> -> memref<8x8x128xf32, #tpu.memory_space<vmem>>
        %dma_wait3A_449 = arith.constant 0 : i32
        %dma_wait3A_450 = arith.constant 0 : i32
        %dma_wait3A_451 = arith.constant 0 : i32
        %dma_wait3A_452 = tpu.memref_slice %arg5[%dma_wait3A_444, %dma_wait3A_449, %select_n3A_30, %dma_wait3A_450, %dma_wait3A_451] : memref<200x8x8x8x128xf32, #tpu.memory_space<hbm>> -> memref<1x8x1x8x128xf32, #tpu.memory_space<hbm>>
        %dma_wait3A_453 = tpu.memref_squeeze %dma_wait3A_452 : memref<1x8x1x8x128xf32, #tpu.memory_space<hbm>> -> memref<8x8x128xf32, #tpu.memory_space<hbm>>
        %dma_wait3A_454 = arith.constant 0 : i32
        %dma_wait3A_455 = arith.constant 0 : i32
        %dma_wait3A_456 = arith.constant 0 : i32
        %dma_wait3A_457 = tpu.memref_slice %arg5[%dma_wait3A_444, %dma_wait3A_454, %select_n3A_30, %dma_wait3A_455, %dma_wait3A_456] : memref<200x8x8x8x128xf32, #tpu.memory_space<hbm>> -> memref<1x8x1x8x128xf32, #tpu.memory_space<hbm>>
        %dma_wait3A_458 = tpu.memref_squeeze %dma_wait3A_457 : memref<1x8x1x8x128xf32, #tpu.memory_space<hbm>> -> memref<8x8x128xf32, #tpu.memory_space<hbm>>
        %dma_wait3A_459 = arith.constant 0 : i32
        %dma_wait3A_460 = arith.constant 0 : i32
        %dma_wait3A_461 = arith.constant 0 : i32
        %dma_wait3A_462 = tpu.memref_slice %arg11[%dma_wait3A_459, %dma_wait3A_460, %dma_wait3A_461] : memref<8x8x136xf32, #tpu.memory_space<vmem>> -> memref<8x8x128xf32, #tpu.memory_space<vmem>>
        tpu.wait_dma2 semaphore(%arg15 : memref<!tpu.dma_semaphore, #tpu.memory_space<semaphore_mem>>) src(%dma_wait3A_462 : memref<8x8x128xf32, #tpu.memory_space<vmem>>) dst(%dma_wait3A_458 : memref<8x8x128xf32, #tpu.memory_space<hbm>>)
      } else {
      }
      %add3A_399 = arith.addi %mul3A_32, %add3A_386 : i32
      %get3A_400 = arith.index_cast %add3A_399 : i32 to index
      %get3A_401 = arith.constant 0 : index
      %get3A_402 = tpu.vector_load %arg6[%get3A_400, %get3A_401] {strides = array<i32>} : memref<200x64xf32, #tpu.memory_space<vmem>>, vector<16xf32>,
      %get3A_403 = arith.index_cast %add3A_399 : i32 to index
      %get3A_404 = arith.constant 16 : index
      %get3A_405 = tpu.vector_load %arg6[%get3A_403, %get3A_404] {strides = array<i32>} : memref<200x64xf32, #tpu.memory_space<vmem>>, vector<16xf32>,
      %get3A_406 = arith.index_cast %add3A_399 : i32 to index
      %get3A_407 = arith.constant 32 : index
      %get3A_408 = tpu.vector_load %arg6[%get3A_406, %get3A_407] {strides = array<i32>} : memref<200x64xf32, #tpu.memory_space<vmem>>, vector<16xf32>,
      %get3A_409 = arith.index_cast %add3A_399 : i32 to index
      %get3A_410 = arith.constant 48 : index
      %get3A_411 = tpu.vector_load %arg6[%get3A_409, %get3A_410] {strides = array<i32>} : memref<200x64xf32, #tpu.memory_space<vmem>>, vector<16xf32>,
      %scan3A_412 = arith.constant 0 : i32
      %scan3A_413 = arith.constant 0 : i32
      %scan3A_414 = arith.constant 128 : i32
      %scan3A_415 = arith.addi %scan3A_413, %scan3A_414 : i32
      %scan3A_416 = arith.constant 4 : i32
      %scan3A_417 = scf.for %scan3A_444 = %scan3A_413 to %scan3A_415 step %scan3A_416 iter_args(%scan3A_445 = %scan3A_412) -> (i32)  : i32 {
        %broadcast_in_dim3A = vector.broadcast %scan3A_444 : i32 to vector<16xi32>
        %get3A_446 = arith.index_cast %scan3A_444 : i32 to index
        %get3A_447 = arith.constant 0 : index
        %get3A_448 = tpu.vector_load %arg9[%get3A_446, %get3A_447] {strides = array<i32>} : memref<128x64xf32, #tpu.memory_space<vmem>>, vector<16xf32>,
        %add3A_449 = arith.addf %get3A_448, %get3A_402 : vector<16xf32>
        tpu.vector_store_idx %arg11[%select_n3A_79, %select_n3A_104, %broadcast_in_dim3A], %add3A_449 : memref<8x8x136xf32, #tpu.memory_space<vmem>>[vector<16xi32>, vector<16xi32>, vector<16xi32>], vector<16xf32>,
        %get3A_450 = arith.index_cast %scan3A_444 : i32 to index
        %get3A_451 = arith.constant 16 : index
        %get3A_452 = tpu.vector_load %arg9[%get3A_450, %get3A_451] {strides = array<i32>} : memref<128x64xf32, #tpu.memory_space<vmem>>, vector<16xf32>,
        %add3A_453 = arith.addf %get3A_452, %get3A_405 : vector<16xf32>
        tpu.vector_store_idx %arg11[%select_n3A_138, %select_n3A_163, %broadcast_in_dim3A], %add3A_453 : memref<8x8x136xf32, #tpu.memory_space<vmem>>[vector<16xi32>, vector<16xi32>, vector<16xi32>], vector<16xf32>,
        %get3A_454 = arith.index_cast %scan3A_444 : i32 to index
        %get3A_455 = arith.constant 32 : index
        %get3A_456 = tpu.vector_load %arg9[%get3A_454, %get3A_455] {strides = array<i32>} : memref<128x64xf32, #tpu.memory_space<vmem>>, vector<16xf32>,
        %add3A_457 = arith.addf %get3A_456, %get3A_408 : vector<16xf32>
        tpu.vector_store_idx %arg11[%select_n3A_197, %select_n3A_222, %broadcast_in_dim3A], %add3A_457 : memref<8x8x136xf32, #tpu.memory_space<vmem>>[vector<16xi32>, vector<16xi32>, vector<16xi32>], vector<16xf32>,
        %get3A_458 = arith.index_cast %scan3A_444 : i32 to index
        %get3A_459 = arith.constant 48 : index
        %get3A_460 = tpu.vector_load %arg9[%get3A_458, %get3A_459] {strides = array<i32>} : memref<128x64xf32, #tpu.memory_space<vmem>>, vector<16xf32>,
        %add3A_461 = arith.addf %get3A_460, %get3A_411 : vector<16xf32>
        tpu.vector_store_idx %arg11[%select_n3A_256, %select_n3A_281, %broadcast_in_dim3A], %add3A_461 : memref<8x8x136xf32, #tpu.memory_space<vmem>>[vector<16xi32>, vector<16xi32>, vector<16xi32>], vector<16xf32>,
        %scan3A_462 = arith.constant 0 : i32
        %scan3A_463 = arith.constant 1 : i32
        %scan3A_464 = arith.addi %scan3A_444, %scan3A_463 : i32
        %broadcast_in_dim3A_465 = vector.broadcast %scan3A_464 : i32 to vector<16xi32>
        %get3A_466 = arith.index_cast %scan3A_464 : i32 to index
        %get3A_467 = arith.constant 0 : index
        %get3A_468 = tpu.vector_load %arg9[%get3A_466, %get3A_467] {strides = array<i32>} : memref<128x64xf32, #tpu.memory_space<vmem>>, vector<16xf32>,
        %add3A_469 = arith.addf %get3A_468, %get3A_402 : vector<16xf32>
        tpu.vector_store_idx %arg11[%select_n3A_79, %select_n3A_104, %broadcast_in_dim3A_465], %add3A_469 : memref<8x8x136xf32, #tpu.memory_space<vmem>>[vector<16xi32>, vector<16xi32>, vector<16xi32>], vector<16xf32>,
        %get3A_470 = arith.index_cast %scan3A_464 : i32 to index
        %get3A_471 = arith.constant 16 : index
        %get3A_472 = tpu.vector_load %arg9[%get3A_470, %get3A_471] {strides = array<i32>} : memref<128x64xf32, #tpu.memory_space<vmem>>, vector<16xf32>,
        %add3A_473 = arith.addf %get3A_472, %get3A_405 : vector<16xf32>
        tpu.vector_store_idx %arg11[%select_n3A_138, %select_n3A_163, %broadcast_in_dim3A_465], %add3A_473 : memref<8x8x136xf32, #tpu.memory_space<vmem>>[vector<16xi32>, vector<16xi32>, vector<16xi32>], vector<16xf32>,
        %get3A_474 = arith.index_cast %scan3A_464 : i32 to index
        %get3A_475 = arith.constant 32 : index
        %get3A_476 = tpu.vector_load %arg9[%get3A_474, %get3A_475] {strides = array<i32>} : memref<128x64xf32, #tpu.memory_space<vmem>>, vector<16xf32>,
        %add3A_477 = arith.addf %get3A_476, %get3A_408 : vector<16xf32>
        tpu.vector_store_idx %arg11[%select_n3A_197, %select_n3A_222, %broadcast_in_dim3A_465], %add3A_477 : memref<8x8x136xf32, #tpu.memory_space<vmem>>[vector<16xi32>, vector<16xi32>, vector<16xi32>], vector<16xf32>,
        %get3A_478 = arith.index_cast %scan3A_464 : i32 to index
        %get3A_479 = arith.constant 48 : index
        %get3A_480 = tpu.vector_load %arg9[%get3A_478, %get3A_479] {strides = array<i32>} : memref<128x64xf32, #tpu.memory_space<vmem>>, vector<16xf32>,
        %add3A_481 = arith.addf %get3A_480, %get3A_411 : vector<16xf32>
        tpu.vector_store_idx %arg11[%select_n3A_256, %select_n3A_281, %broadcast_in_dim3A_465], %add3A_481 : memref<8x8x136xf32, #tpu.memory_space<vmem>>[vector<16xi32>, vector<16xi32>, vector<16xi32>], vector<16xf32>,
        %scan3A_482 = arith.constant 0 : i32
        %scan3A_483 = arith.constant 2 : i32
        %scan3A_484 = arith.addi %scan3A_444, %scan3A_483 : i32
        %broadcast_in_dim3A_485 = vector.broadcast %scan3A_484 : i32 to vector<16xi32>
        %get3A_486 = arith.index_cast %scan3A_484 : i32 to index
        %get3A_487 = arith.constant 0 : index
        %get3A_488 = tpu.vector_load %arg9[%get3A_486, %get3A_487] {strides = array<i32>} : memref<128x64xf32, #tpu.memory_space<vmem>>, vector<16xf32>,
        %add3A_489 = arith.addf %get3A_488, %get3A_402 : vector<16xf32>
        tpu.vector_store_idx %arg11[%select_n3A_79, %select_n3A_104, %broadcast_in_dim3A_485], %add3A_489 : memref<8x8x136xf32, #tpu.memory_space<vmem>>[vector<16xi32>, vector<16xi32>, vector<16xi32>], vector<16xf32>,
        %get3A_490 = arith.index_cast %scan3A_484 : i32 to index
        %get3A_491 = arith.constant 16 : index
        %get3A_492 = tpu.vector_load %arg9[%get3A_490, %get3A_491] {strides = array<i32>} : memref<128x64xf32, #tpu.memory_space<vmem>>, vector<16xf32>,
        %add3A_493 = arith.addf %get3A_492, %get3A_405 : vector<16xf32>
        tpu.vector_store_idx %arg11[%select_n3A_138, %select_n3A_163, %broadcast_in_dim3A_485], %add3A_493 : memref<8x8x136xf32, #tpu.memory_space<vmem>>[vector<16xi32>, vector<16xi32>, vector<16xi32>], vector<16xf32>,
        %get3A_494 = arith.index_cast %scan3A_484 : i32 to index
        %get3A_495 = arith.constant 32 : index
        %get3A_496 = tpu.vector_load %arg9[%get3A_494, %get3A_495] {strides = array<i32>} : memref<128x64xf32, #tpu.memory_space<vmem>>, vector<16xf32>,
        %add3A_497 = arith.addf %get3A_496, %get3A_408 : vector<16xf32>
        tpu.vector_store_idx %arg11[%select_n3A_197, %select_n3A_222, %broadcast_in_dim3A_485], %add3A_497 : memref<8x8x136xf32, #tpu.memory_space<vmem>>[vector<16xi32>, vector<16xi32>, vector<16xi32>], vector<16xf32>,
        %get3A_498 = arith.index_cast %scan3A_484 : i32 to index
        %get3A_499 = arith.constant 48 : index
        %get3A_500 = tpu.vector_load %arg9[%get3A_498, %get3A_499] {strides = array<i32>} : memref<128x64xf32, #tpu.memory_space<vmem>>, vector<16xf32>,
        %add3A_501 = arith.addf %get3A_500, %get3A_411 : vector<16xf32>
        tpu.vector_store_idx %arg11[%select_n3A_256, %select_n3A_281, %broadcast_in_dim3A_485], %add3A_501 : memref<8x8x136xf32, #tpu.memory_space<vmem>>[vector<16xi32>, vector<16xi32>, vector<16xi32>], vector<16xf32>,
        %scan3A_502 = arith.constant 0 : i32
        %scan3A_503 = arith.constant 3 : i32
        %scan3A_504 = arith.addi %scan3A_444, %scan3A_503 : i32
        %broadcast_in_dim3A_505 = vector.broadcast %scan3A_504 : i32 to vector<16xi32>
        %get3A_506 = arith.index_cast %scan3A_504 : i32 to index
        %get3A_507 = arith.constant 0 : index
        %get3A_508 = tpu.vector_load %arg9[%get3A_506, %get3A_507] {strides = array<i32>} : memref<128x64xf32, #tpu.memory_space<vmem>>, vector<16xf32>,
        %add3A_509 = arith.addf %get3A_508, %get3A_402 : vector<16xf32>
        tpu.vector_store_idx %arg11[%select_n3A_79, %select_n3A_104, %broadcast_in_dim3A_505], %add3A_509 : memref<8x8x136xf32, #tpu.memory_space<vmem>>[vector<16xi32>, vector<16xi32>, vector<16xi32>], vector<16xf32>,
        %get3A_510 = arith.index_cast %scan3A_504 : i32 to index
        %get3A_511 = arith.constant 16 : index
        %get3A_512 = tpu.vector_load %arg9[%get3A_510, %get3A_511] {strides = array<i32>} : memref<128x64xf32, #tpu.memory_space<vmem>>, vector<16xf32>,
        %add3A_513 = arith.addf %get3A_512, %get3A_405 : vector<16xf32>
        tpu.vector_store_idx %arg11[%select_n3A_138, %select_n3A_163, %broadcast_in_dim3A_505], %add3A_513 : memref<8x8x136xf32, #tpu.memory_space<vmem>>[vector<16xi32>, vector<16xi32>, vector<16xi32>], vector<16xf32>,
        %get3A_514 = arith.index_cast %scan3A_504 : i32 to index
        %get3A_515 = arith.constant 32 : index
        %get3A_516 = tpu.vector_load %arg9[%get3A_514, %get3A_515] {strides = array<i32>} : memref<128x64xf32, #tpu.memory_space<vmem>>, vector<16xf32>,
        %add3A_517 = arith.addf %get3A_516, %get3A_408 : vector<16xf32>
        tpu.vector_store_idx %arg11[%select_n3A_197, %select_n3A_222, %broadcast_in_dim3A_505], %add3A_517 : memref<8x8x136xf32, #tpu.memory_space<vmem>>[vector<16xi32>, vector<16xi32>, vector<16xi32>], vector<16xf32>,
        %get3A_518 = arith.index_cast %scan3A_504 : i32 to index
        %get3A_519 = arith.constant 48 : index
        %get3A_520 = tpu.vector_load %arg9[%get3A_518, %get3A_519] {strides = array<i32>} : memref<128x64xf32, #tpu.memory_space<vmem>>, vector<16xf32>,
        %add3A_521 = arith.addf %get3A_520, %get3A_411 : vector<16xf32>
        tpu.vector_store_idx %arg11[%select_n3A_256, %select_n3A_281, %broadcast_in_dim3A_505], %add3A_521 : memref<8x8x136xf32, #tpu.memory_space<vmem>>[vector<16xi32>, vector<16xi32>, vector<16xi32>], vector<16xf32>,
        %scan3A_522 = arith.constant 0 : i32
        scf.yield %scan3A_522 : i32
      }
      %scan3A_418 = arith.constant 128 : i32
      %add3A_419 = arith.addi %mul3A_32, %add3A_386 : i32
      %dma_start3A_420 = arith.constant 0 : i32
      %dma_start3A_421 = arith.constant 0 : i32
      %dma_start3A_422 = arith.constant 0 : i32
      %dma_start3A_423 = tpu.memref_slice %arg11[%dma_start3A_420, %dma_start3A_421, %dma_start3A_422] : memref<8x8x136xf32, #tpu.memory_space<vmem>> -> memref<8x8x128xf32, #tpu.memory_space<vmem>>
      %dma_start3A_424 = arith.constant 0 : i32
      %dma_start3A_425 = arith.constant 0 : i32
      %dma_start3A_426 = arith.constant 0 : i32
      %dma_start3A_427 = tpu.memref_slice %arg5[%add3A_419, %dma_start3A_424, %select_n3A_30, %dma_start3A_425, %dma_start3A_426] : memref<200x8x8x8x128xf32, #tpu.memory_space<hbm>> -> memref<1x8x1x8x128xf32, #tpu.memory_space<hbm>>
      %dma_start3A_428 = tpu.memref_squeeze %dma_start3A_427 : memref<1x8x1x8x128xf32, #tpu.memory_space<hbm>> -> memref<8x8x128xf32, #tpu.memory_space<hbm>>
      %dma_start3A_429 = arith.constant 0 : i32
      %dma_start3A_430 = arith.constant 0 : i32
      %dma_start3A_431 = arith.constant 0 : i32
      %dma_start3A_432 = tpu.memref_slice %arg5[%add3A_419, %dma_start3A_429, %select_n3A_30, %dma_start3A_430, %dma_start3A_431] : memref<200x8x8x8x128xf32, #tpu.memory_space<hbm>> -> memref<1x8x1x8x128xf32, #tpu.memory_space<hbm>>
      %dma_start3A_433 = tpu.memref_squeeze %dma_start3A_432 : memref<1x8x1x8x128xf32, #tpu.memory_space<hbm>> -> memref<8x8x128xf32, #tpu.memory_space<hbm>>
      %dma_start3A_434 = arith.constant 0 : i32
      %dma_start3A_435 = arith.constant 0 : i32
      %dma_start3A_436 = arith.constant 0 : i32
      %dma_start3A_437 = tpu.memref_slice %arg11[%dma_start3A_434, %dma_start3A_435, %dma_start3A_436] : memref<8x8x136xf32, #tpu.memory_space<vmem>> -> memref<8x8x128xf32, #tpu.memory_space<vmem>>
      tpu.enqueue_dma source(%dma_start3A_437 : memref<8x8x128xf32, #tpu.memory_space<vmem>>) target(%dma_start3A_433 : memref<8x8x128xf32, #tpu.memory_space<hbm>>) target_semaphore(%arg15 : memref<!tpu.dma_semaphore, #tpu.memory_space<semaphore_mem>>)
      %lt3A_438 = arith.constant 24 : i32
      %lt3A_439 = arith.cmpi slt, %scan3A_325, %lt3A_438 : i32
      %convert_element_type3A_440 = arith.extui %lt3A_439 : i1 to i32
      %cond3A_441 = arith.constant 0 : i32
      %cond3A_442 = arith.cmpi ne, %convert_element_type3A_440, %cond3A_441 : i32
      scf.if %cond3A_442 {
        %add3A_444 = arith.constant 2 : i32
        %add3A_445 = arith.addi %add3A_386, %add3A_444 : i32
        %dma_start3A_446 = arith.constant 0 : i32
        %dma_start3A_447 = tpu.memref_slice %arg7[%add3A_445, %dma_start3A_446] : memref<50x128xi32, #tpu.memory_space<vmem>> -> memref<1x128xi32, #tpu.memory_space<vmem>>
        %dma_start3A_448 = tpu.memref_squeeze %dma_start3A_447 : memref<1x128xi32, #tpu.memory_space<vmem>> -> memref<128xi32, #tpu.memory_space<vmem>>
        %dma_start3A_449 = arith.constant 0 : i32
        %dma_start3A_450 = arith.constant 0 : i32
        %dma_start3A_451 = tpu.memref_slice %arg3[%dma_start3A_449, %dma_start3A_450] : memref<100000x64xf32, #tpu.memory_space<hbm>> -> memref<100000x64xf32, #tpu.memory_space<hbm>>
        tpu.enqueue_indirect_dma source(%dma_start3A_451 : memref<100000x64xf32, #tpu.memory_space<hbm>>) target(%arg9 : memref<128x64xf32, #tpu.memory_space<vmem>>) offsets(%dma_start3A_448 : memref<128xi32, #tpu.memory_space<vmem>>) semaphore(%arg13 : memref<!tpu.dma_semaphore, #tpu.memory_space<semaphore_mem>>)
      } else {
      }
      %scan3A_443 = arith.constant 0 : i32
      scf.yield %scan3A_443 : i32
    }
    %scan3A_287 = arith.constant 25 : i32
    %dma_wait3A = arith.constant 0 : i32
    %dma_wait3A_288 = arith.constant 0 : i32
    %dma_wait3A_289 = arith.constant 0 : i32
    %dma_wait3A_290 = arith.constant 0 : i32
    %dma_wait3A_291 = tpu.memref_slice %arg10[%dma_wait3A_288, %dma_wait3A_289, %dma_wait3A_290] : memref<8x8x136xf32, #tpu.memory_space<vmem>> -> memref<8x8x128xf32, #tpu.memory_space<vmem>>
    %dma_wait3A_292 = arith.constant 0 : i32
    %dma_wait3A_293 = arith.constant 0 : i32
    %dma_wait3A_294 = arith.constant 0 : i32
    %dma_wait3A_295 = tpu.memref_slice %arg5[%dma_wait3A, %dma_wait3A_292, %select_n3A_30, %dma_wait3A_293, %dma_wait3A_294] : memref<200x8x8x8x128xf32, #tpu.memory_space<hbm>> -> memref<1x8x1x8x128xf32, #tpu.memory_space<hbm>>
    %dma_wait3A_296 = tpu.memref_squeeze %dma_wait3A_295 : memref<1x8x1x8x128xf32, #tpu.memory_space<hbm>> -> memref<8x8x128xf32, #tpu.memory_space<hbm>>
    %dma_wait3A_297 = arith.constant 0 : i32
    %dma_wait3A_298 = arith.constant 0 : i32
    %dma_wait3A_299 = arith.constant 0 : i32
    %dma_wait3A_300 = tpu.memref_slice %arg5[%dma_wait3A, %dma_wait3A_297, %select_n3A_30, %dma_wait3A_298, %dma_wait3A_299] : memref<200x8x8x8x128xf32, #tpu.memory_space<hbm>> -> memref<1x8x1x8x128xf32, #tpu.memory_space<hbm>>
    %dma_wait3A_301 = tpu.memref_squeeze %dma_wait3A_300 : memref<1x8x1x8x128xf32, #tpu.memory_space<hbm>> -> memref<8x8x128xf32, #tpu.memory_space<hbm>>
    %dma_wait3A_302 = arith.constant 0 : i32
    %dma_wait3A_303 = arith.constant 0 : i32
    %dma_wait3A_304 = arith.constant 0 : i32
    %dma_wait3A_305 = tpu.memref_slice %arg10[%dma_wait3A_302, %dma_wait3A_303, %dma_wait3A_304] : memref<8x8x136xf32, #tpu.memory_space<vmem>> -> memref<8x8x128xf32, #tpu.memory_space<vmem>>
    tpu.wait_dma2 semaphore(%arg14 : memref<!tpu.dma_semaphore, #tpu.memory_space<semaphore_mem>>) src(%dma_wait3A_305 : memref<8x8x128xf32, #tpu.memory_space<vmem>>) dst(%dma_wait3A_301 : memref<8x8x128xf32, #tpu.memory_space<hbm>>)
    %dma_wait3A_306 = arith.constant 0 : i32
    %dma_wait3A_307 = arith.constant 0 : i32
    %dma_wait3A_308 = arith.constant 0 : i32
    %dma_wait3A_309 = arith.constant 0 : i32
    %dma_wait3A_310 = tpu.memref_slice %arg11[%dma_wait3A_307, %dma_wait3A_308, %dma_wait3A_309] : memref<8x8x136xf32, #tpu.memory_space<vmem>> -> memref<8x8x128xf32, #tpu.memory_space<vmem>>
    %dma_wait3A_311 = arith.constant 0 : i32
    %dma_wait3A_312 = arith.constant 0 : i32
    %dma_wait3A_313 = arith.constant 0 : i32
    %dma_wait3A_314 = tpu.memref_slice %arg5[%dma_wait3A_306, %dma_wait3A_311, %select_n3A_30, %dma_wait3A_312, %dma_wait3A_313] : memref<200x8x8x8x128xf32, #tpu.memory_space<hbm>> -> memref<1x8x1x8x128xf32, #tpu.memory_space<hbm>>
    %dma_wait3A_315 = tpu.memref_squeeze %dma_wait3A_314 : memref<1x8x1x8x128xf32, #tpu.memory_space<hbm>> -> memref<8x8x128xf32, #tpu.memory_space<hbm>>
    %dma_wait3A_316 = arith.constant 0 : i32
    %dma_wait3A_317 = arith.constant 0 : i32
    %dma_wait3A_318 = arith.constant 0 : i32
    %dma_wait3A_319 = tpu.memref_slice %arg5[%dma_wait3A_306, %dma_wait3A_316, %select_n3A_30, %dma_wait3A_317, %dma_wait3A_318] : memref<200x8x8x8x128xf32, #tpu.memory_space<hbm>> -> memref<1x8x1x8x128xf32, #tpu.memory_space<hbm>>
    %dma_wait3A_320 = tpu.memref_squeeze %dma_wait3A_319 : memref<1x8x1x8x128xf32, #tpu.memory_space<hbm>> -> memref<8x8x128xf32, #tpu.memory_space<hbm>>
    %dma_wait3A_321 = arith.constant 0 : i32
    %dma_wait3A_322 = arith.constant 0 : i32
    %dma_wait3A_323 = arith.constant 0 : i32
    %dma_wait3A_324 = tpu.memref_slice %arg11[%dma_wait3A_321, %dma_wait3A_322, %dma_wait3A_323] : memref<8x8x136xf32, #tpu.memory_space<vmem>> -> memref<8x8x128xf32, #tpu.memory_space<vmem>>
    tpu.wait_dma2 semaphore(%arg15 : memref<!tpu.dma_semaphore, #tpu.memory_space<semaphore_mem>>) src(%dma_wait3A_324 : memref<8x8x128xf32, #tpu.memory_space<vmem>>) dst(%dma_wait3A_320 : memref<8x8x128xf32, #tpu.memory_space<hbm>>)
    return
  }
}

</mosaic_0001>

<sc_bundles>
// kernel: kernel.3.cloned.1.call-start
scs
__scs_entry_jumppad:
0x0: {  	(pc) =	sbr.rel $0x88, $3  }
0x1: {  	(tag) =	ssettag $0x0;
	lr =	simm.s32 $0x1  }
0x2: {  	[smem:$0x3F9E] =	sst lr;
	_ =	strace $0xD0000000  }
0x3: {  	_ = 	snop  }
0x4: {  	_ = 	snop  }
0x5: {  	_ = 	snop  }
0x6: {  	_ = 	snop  }
0x7: {  	_ = 	snop  }
__scs_overlays_trampoline_lowered:
0x8: {  	[smem:$0x3FAD] =	sst s0  }
0x9: {  	[smem:$0x3FAE] =	sst s1  }
0xa: {  	[smem:$0x3FAF] =	sst s2  }
0xb: {  	[smem:$0x3FB0] =	sst s3  }
0xc: {  	[smem:$0x3FB1] =	sst s4  }
0xd: {  	[smem:$0x3FB2] =	sst s5  }
0xe: {  	[smem:$0x3FB3] =	sst s6  }
0xf: {  	[smem:$0x3FB4] =	sst s7  }
0x10: {  	[smem:$0x3FB5] =	sst s8  }
0x11: {  	[smem:$0x3FB6] =	sst s9;
	s0 =	simm.s32 @!p0 $0x0  }
0x12: {  	s1 =	sld [smem:$0x3F9C];
	s0 =	simm.s32 @p0 $0x1  }
0x13: {  	[smem:$0x3FB7] =	sst s0;
	s0 =	simm.s32 @!p1 $0x0  }
0x14: {  	s2 =	sld [smem:$0x3F9B];
	s0 =	simm.s32 @p1 $0x1  }
0x15: {  	[smem:$0x3FB8] =	sst s0;
	s0 =	simm.s32 @!p2 $0x0  }
0x16: {  	s3 =	sld [smem:$0x3FDB];
	s0 =	simm.s32 @p2 $0x1  }
0x17: {  	s4 =	simm.s32 $0x1BF5;
	[smem:$0x3FBA] =	sst s0  }
0x18: {  	s0 =	sld [smem:$0x3F9D];
	_ =	swait.ge [sflag:s4], $0x0  }
0x19: {  	s7 =	sld [smem:$0x3F9E]  }
0x1a: {  	s8 =	sadd.s32 $0xFFFFE003, lr  }
0x1b: {  	s9 =	sadd.s32 $0xFFFFFEF7, lr;
	s5 =	simm.s32 $0xFFFFFFFF;
	p2 =	slt.u32 s8, $0xFFFFF086  }
0x1c: {  	p1 =	slt.u32 s9, $0xF7A;
	s5 =	simm.s32 @!p2 $0x0  }
0x1d: {  	s5 =	simm.s32 @p1 $0x1;
	p0 =	seq.s32 s7, s2  }
0x1e: {  	s7 =	smul.u32 @!p0 $0xF7A, s2;
	p2 =	seq.s32 @!p0 s5, $0x0  }
0x1f: {  	s9 =	smul.u32 $0xF7A, s1;
	s8 =	simm.s32 @!p0 $0x1BF5;
	p2 =	por !p2, p0  }
0x20: {  	[sflag:s8] =	ssyncset.s32 @!p0 $0xFFFFF086;
	s6 =	sadd.s32 @!p0 s3, s7;
	s7 =	simm.s32 @!p0 $0x108  }
0x21: {  	s3 =	sadd.s32 s3, s9;
	s6 =	sadd.s32 @!p0 $0x88, s6;
	s7 =	simm.s32 @p2 $0x1082  }
0x22: {  	[simem:s7], [sflag:s8] =	dma.local @!p0 [hbm:s6], $0xF7A  }
0x23: {  	s9 =	sor.u32 $0xD0000000, s2;
	s6 =	simm.s32 $0x108;
	_ =	swait.ge @!p0 [sflag:s8], $0x0  }
0x24: {  	s3 =	sadd.s32 $0x88, s3;
	s6 =	simm.s32 @!p1 $0x1082;
	[sflag:s4] =	ssyncset.s32 $0xFFFFF086  }
0x25: {  	[simem:s6], [sflag:s4] =	dma.local [hbm:s3], $0xF7A  }
0x26: {  	[smem:$0x3F9E] =	sst s1;
	(tag) =	ssettag s2;
	_ =	strace s9  }
0x27: {  	s1 =	sld [smem:$0x3FAE]  }
0x28: {  	s2 =	sld [smem:$0x3FAF]  }
0x29: {  	s4 =	sld [smem:$0x3FB1]  }
0x2a: {  	p0 =	seq.s32 s5, $0x0;
	s5 =	sld [smem:$0x3FB2]  }
0x2b: {  	s6 =	sld [smem:$0x3FB3]  }
0x2c: {  	s7 =	sld [smem:$0x3FB4]  }
0x2d: {  	s3 =	simm.s32 $0x108;
	s8 =	sld [smem:$0x3FB5]  }
0x2e: {  	s3 =	simm.s32 @!p0 $0x1082;
	s9 =	sld [smem:$0x3FB6]  }
0x2f: {  	lr =	sadd.s32 s0, s3;
	s0 =	sld [smem:$0x3FAD]  }
0x30: {  	s3 =	sld [smem:$0x3FB0]  }
0x31: {  	[smem:$0x3FB9] =	sst s10  }
0x32: {  	s10 =	sld [smem:$0x3FB7];
	_ =	sdelay $0x3  }
0x33: {  	p0 =	seq.s32 s10, $0x1;
	s10 =	sld [smem:$0x3FB9];
	_ =	sdelay $0x3  }
0x34: {  	[smem:$0x3FB9] =	sst s10  }
0x35: {  	s10 =	sld [smem:$0x3FB8];
	_ =	sdelay $0x3  }
0x36: {  	p1 =	seq.s32 s10, $0x1;
	s10 =	sld [smem:$0x3FB9];
	_ =	sdelay $0x3  }
0x37: {  	[smem:$0x3FB9] =	sst s10  }
0x38: {  	s10 =	sld [smem:$0x3FBA]  }
0x39: {  	_ = 	snop;
	(pc) =	sbr.ind lr, $3  }
0x3a: {  	_ = 	snop  }
0x3b: {  	_ = 	snop  }
0x3c: {  	p2 =	seq.s32 s10, $0x1;
	s10 =	sld [smem:$0x3FB9]  }
0x3d: {  	_ =	shalt  }
0x3e: {  	_ =	shalt  }
0x3f: {  	_ =	shalt  }
0x40: {  	_ =	shalt  }
0x41: {  	_ =	shalt  }
0x42: {  	_ =	shalt  }
0x43: {  	_ =	shalt  }
0x44: {  	_ =	shalt  }
0x45: {  	_ =	shalt  }
0x46: {  	_ =	shalt  }
0x47: {  	_ =	shalt  }
0x48: {  	_ =	shalt  }
0x49: {  	_ =	shalt  }
0x4a: {  	_ =	shalt  }
0x4b: {  	_ =	shalt  }
0x4c: {  	_ =	shalt  }
0x4d: {  	_ =	shalt  }
0x4e: {  	_ =	shalt  }
0x4f: {  	_ =	shalt  }
0x50: {  	_ =	shalt  }
0x51: {  	_ =	shalt  }
0x52: {  	_ =	shalt  }
0x53: {  	_ =	shalt  }
0x54: {  	_ =	shalt  }
0x55: {  	_ =	shalt  }
0x56: {  	_ =	shalt  }
0x57: {  	_ =	shalt  }
0x58: {  	_ =	shalt  }
0x59: {  	_ =	shalt  }
0x5a: {  	_ =	shalt  }
0x5b: {  	_ =	shalt  }
0x5c: {  	_ =	shalt  }
0x5d: {  	_ =	shalt  }
0x5e: {  	_ =	shalt  }
0x5f: {  	_ =	shalt  }
0x60: {  	_ =	shalt  }
0x61: {  	_ =	shalt  }
0x62: {  	_ =	shalt  }
0x63: {  	_ =	shalt  }
0x64: {  	_ =	shalt  }
0x65: {  	_ =	shalt  }
0x66: {  	_ =	shalt  }
0x67: {  	_ =	shalt  }
0x68: {  	_ =	shalt  }
0x69: {  	_ =	shalt  }
0x6a: {  	_ =	shalt  }
0x6b: {  	_ =	shalt  }
0x6c: {  	_ =	shalt  }
0x6d: {  	_ =	shalt  }
0x6e: {  	_ =	shalt  }
0x6f: {  	_ =	shalt  }
0x70: {  	_ =	shalt  }
0x71: {  	_ =	shalt  }
0x72: {  	_ =	shalt  }
0x73: {  	_ =	shalt  }
0x74: {  	_ =	shalt  }
0x75: {  	_ =	shalt  }
0x76: {  	_ =	shalt  }
0x77: {  	_ =	shalt  }
0x78: {  	_ =	shalt  }
0x79: {  	_ =	shalt  }
0x7a: {  	_ =	shalt  }
0x7b: {  	_ =	shalt  }
0x7c: {  	_ =	shalt  }
0x7d: {  	_ =	shalt  }
0x7e: {  	_ =	shalt  }
0x7f: {  	_ =	shalt  }
0x80: {  	_ =	shalt  }
0x81: {  	_ =	shalt  }
0x82: {  	_ =	shalt  }
0x83: {  	_ =	shalt  }
0x84: {  	_ =	shalt  }
0x85: {  	_ =	shalt  }
0x86: {  	_ =	shalt  }
0x87: {  	_ =	shalt  }
.Lfunc_end0:
.L_simem_size_0:
called_computation_lowered:
.L_overlay_start_0:
0x88: {  	s2 =	sld [smem:$0x3FD9]  }
0x89: {  	s3 =	sld [smem:$0x3FFE];
	_ =	sdelay $0x1  }
0x8a: {  	s1 =	srdreg.scid  }
0x8b: {  	s0 =	sand.u32 $0x1, s1  }
0x8c: {  	s17 =	sshll.u32 s0, $0xA;
	s2 =	sadd.s32 s3, s2  }
0x8d: {  	s2 =	sadd.s32 s2, s17  }
0x8e: {  	[smem:$0x3FC5] =	sst s2  }
0x8f: {  	_ = 	snop  }
0x90: {  	s2 =	sld [smem:$0x3FD0];
	(tm) =	ssettm $0x1  }
0x91: {  	s18 =	sld [smem:$0x3FFB];
	_ =	sdelay $0x3  }
0x92: {  	_ =	strace s18  }
0x93: {  	s3 =	sld [smem:$0x3FFC];
	_ =	sdelay $0x3  }
0x94: {  	_ =	strace s3  }
0x95: {  	s3 =	sld [smem:$0x3FFD];
	_ =	sdelay $0x3  }
0x96: {  	_ =	strace s3  }
0x97: {  	_ =	strace $0x8FFFFFFF  }
0x98: {  	s19 =	sld [smem:$0x3FDB];
	_ =	sdelay $0x1  }
0x99: {  	s4 =	simm.s32 $_scs_section_size  }
0x9a: {  	s5 =	simm.s32 $_size__tile_overlayer_lowered;
	s6 =	simm.s32 $_tile_overlayer_lowered  }
0x9b: {  	s22 =	simm.s32 $0x1BFF;
	s21 =	sshll.u32 s6, $0x1;
	s3 =	sadd.s32 s4, s19  }
0x9c: {  	s7 =	simm.s32 $0x0;
	s20 =	sshll.u32 s5, $0x1;
	s5 =	sadd.s32 s21, s3  }
0x9d: {  	[timem:s7], [sflag:s22] =	dma.local [hbm:s5], s20  }
0x9e: {  	_ =	swait.ge [sflag:s22], s20  }
0x9f: {  	s4 =	ssub.s32 $0x0, s20;
	[sflag:s22] =	ssyncset.done $0x0  }
0xa0: {  	[sflag:s22] =	ssyncadd.s32 s4;
	_ =	sdelay $0x1  }
0xa1: {  	s23 =	simm.s32 $0x1B8B  }
0xa2: {  	_ =	swait.ge [sflag:s23], $0x1  }
0xa3: {  	[sflag:s23] =	ssyncset.done $0x0  }
0xa4: {  	s25 =	simm.s32 $0x1B8E;
	s24 =	sld [smem:$0x3FFE];
	[sflag:s23] =	ssyncadd.s32 $0xFFFFFFFF  }
0xa5: {  	s26 =	simm.s32 $execute0_lowered;
	[smem:$0x3FD2] =	sst s25  }
0xa6: {  	s5 =	sshll.u32 s26, $0x1;
	_ =	strace $0x80000046;
	[dreg:$0x1] =	wrdreg $0xFFFFFFFF  }
0xa7: {  	s28 =	simm.s32 $_size_execute0_lowered;
	s3 =	sadd.s32 s3, s5;
	[dreg:$0x0] =	wrdreg $0x0  }
0xa8: {  	s5 =	sshll.u32 s28, $0x1;
	[dreg:$0x2] =	wrdreg s3  }
0xa9: {  	[dreg:$0x3] =	wrdreg s5  }
0xaa: {  	[dreg:$0x4] =	wrdreg $0xC0  }
0xab: {  	_ =	task [dreg:s7], $0x5FFFF  }
0xac: {  	[dreg:$0x1] =	wrdreg $0xFFFFFFFF  }
0xad: {  	[dreg:$0x0] =	wrdreg $0x60  }
0xae: {  	[dreg:$0x2] =	wrdreg s24  }
0xaf: {  	[dreg:$0x3] =	wrdreg s2  }
0xb0: {  	[dreg:$0x4] =	wrdreg $0x9  }
0xb1: {  	_ =	task.clear_ibuf [dreg:s7], $0x5FFFF;
	_ =	strace $0x90000046  }
0xb2: {  	s29 =	simm.s32 $0x9;
	_ =	strace $0x80000048  }
0xb3: {  	_ =	swait.ge [sflag:s29], $0x1  }
0xb4: {  	[sflag:s29] =	ssyncadd.s32 $0xFFFFFFFF  }
0xb5: {  	_ =	strace $0x90000048  }
0xb6: {  	_ =	sfence  }
0xb7: {  	s30 =	sld [smem:$0x0];
	_ =	sdelay $0x2  }
0xb8: {  	s31 =	sshll.u32 s1, $0xD;
	s1 =	sshrl.u32 s1, $0x2  }
0xb9: {  	s3 =	sand.u32 $0x4000, s31;
	s1 =	sadd.s32 s1, s30  }
0xba: {  	s0 =	sor.u32 s3, s0;
	s1 =	sshll.u32 s1, $0x11  }
0xbb: {  	s0 =	sor.u32 s1, s0  }
0xbc: {  	s0 =	sadd.s32 $0x8F2B, s0  }
0xbd: {  	[sflag:s0] =	ssyncadd.remote.s32 $0x1  }
0xbe: {  	_ =	sfence.sel $0xFFFF  }
0xbf: {  	[dreg:$0x0] =	wrdreg $0xFFFFFFFF;
	(pc) =	sbr.abs _section_cstart, $3  }
0xc0: {  	[dreg:$0x1] =	wrdreg $0xFFFFFFFF  }
0xc1: {  	_ =	task.clear_ibuf [dreg:s7], $0x2FFFF;
	_ =	strace $0x9FFFFFFF  }
0xc2: {  	(tm) =	ssettm $0x7FFFFFFF  }
0xc3: {  	_ =	shalt  }
tec
execute0_lowered:
.L_overlay_start_1:
0x0: {  	(tag) =	ssettag $0x1  }
0x1: {  	s5 =	rddreg [dreg:$0x0];
	s1 =	srdreg.scid  }
0x2: {  	s0 =	stileid.u32;
	s2 =	rddreg [dreg:$0x1];
	s3 =	simm.s32 $0x0  }
0x3: {  	s11 =	simm.s32 $0x3200;
	s12 =	simm.s32 $0x80;
	s13 =	simm.s32 $0x4B00  }
0x4: {  	s14 =	simm.s32 $0x3280;
	s15 =	simm.s32 $0x6B00;
	s16 =	simm.s32 $0x1  }
0x5: {  	s17 =	simm.s32 $0x8B00;
	s18 =	simm.s32 $0x2;
	s19 =	simm.s32 $0xAD00  }
0x6: {  	s20 =	simm.s32 $0x3;
	s21 =	simm.s32 $0x4;
	s22 =	simm.s32 $0x0  }
0x7: {  	s4 =	sand.u32 $0x1, s1;
	s6 =	sshll.u32 s0, $0x1;
	s1 =	rddreg [dreg:$0x2]  }
0x8: {  	[smem:$0x7FF] =	sst s3;
	s31 =	sshrl.u32 s0, $0x2;
	s8 =	sor.u32 s4, s6  }
.Ltmp0:
0x9: {  	_ =	strace $0x80000047;
	s7 =	ssub.s32 $0x2, s4;
	(pc) =	sbr.rel .LBB2_1-.Ltmp0, $4  }
0xa: {  	v0 =	vlaneseq.u32;
	s6 =	smul.u32 $0x320, s8;
	s30 =	sshrl.u32 s7, $0x1;
	s8 =	sshll.u32 s8, $0xA  }
0xb: {  	v0 =	vmul.u32 $0x88, v0;
	s4 =	sadd.s32 $0x7000, s5;
	s10 =	ssub.s32 s7, s30;
	s8 =	sand.u32 $0x1C00, s8  }
0xc: {  	s9 =	sadd.s32 s6, s5;
	s5 =	sadd.s32 $0x400, s5;
	s6 =	smul.u32 $0x32, s31  }
0xd: {  	v1 =	vadd.s32 $0x880, v0;
	v2 =	vadd.s32 $0x1100, v0;
	v3 =	vadd.s32 $0x1980, v0;
	s7 =	sadd.s32 $0xC00, s9;
	s9 =	smax.u32 s10, $0x1;
	s10 =	simm.s32 $0x5  }
.LBB2_12:
0xe: {  	s22 =	sadd.s32 $0x1, s22  }
0xf: {  	_ =	swait.ge [sflag:s20], $0x2000;
	p0 =	sne.s32 s22, s9  }
.Ltmp1:
0x10: {  	[sflag:s20] =	ssyncset.done $0x0;
	(pc) =	sbr.rel @!p0 .LBB2_13-.Ltmp1, $4  }
0x11: {  	[sflag:s20] =	ssyncadd.s32 $0xFFFFE000  }
0x12: {  	_ =	swait.ge [sflag:s21], $0x2000  }
0x13: {  	[sflag:s21] =	ssyncset.done $0x0  }
0x14: {  	[sflag:s21] =	ssyncadd.s32 $0xFFFFE000  }
.LBB2_1:
0x15: {  	[tilespmem:s3], [sflag:$0x5] =	stream.linear.gather [hbm4b:s5+s3], $0x3200, $0x38;
	[tilespmem:$0xCF00] =	vst v63  }
0x16: {  	_ =	swait.ge [sflag:s10], $0x3200  }
0x17: {  	[sflag:s10] =	ssyncset.done $0x0  }
0x18: {  	[sflag:s10] =	ssyncadd.s32 $0xFFFFCE00  }
0x19: {  	[tilespmem:s11], [sflag:$0x5] =	stream.linear.gather [hbm4b:s7+s3], $0x1900, $0x38;
	[tilespmem:$0xCF00] =	vst v63  }
0x1a: {  	_ =	swait.ge [sflag:s10], $0x1900  }
0x1b: {  	[sflag:s10] =	ssyncset.done $0x0  }
0x1c: {  	[sflag:s10] =	ssyncadd.s32 $0xFFFFE700  }
0x1d: {  	[tilespmem:s13], [sflag:$0x1] =	stream.indirect.gather [hbm4b:s4+s12], $0x40, s11, s12, $0xb8;
	[tilespmem:$0xCF00] =	vst v63  }
0x1e: {  	s23 =	simm.s32 $0x0  }
0x1f: {  	[tilespmem:s15], [sflag:$0x2] =	stream.indirect.gather [hbm4b:s4+s12], $0x40, s14, s12, $0xb8;
	[tilespmem:$0xCF00] =	vst v63  }
.LBB2_2:
0x20: {  	_ =	swait.ge [sflag:s16], $0x2000  }
0x21: {  	p0 =	seq.s32 s23, $0x0;
	[sflag:s16] =	ssyncset.done $0x0  }
0x22: {  	s24 =	sshll.u32 s23, $0x1;
	s26 =	simm.s32 @!p0 $0x3;
	[sflag:s16] =	ssyncadd.s32 $0xFFFFE000  }
0x23: {  	s25 =	sadd.s32 s6, s24;
	_ =	swait.ge @!p0 [sflag:s26], $0x2000  }
0x24: {  	s28 =	sshll.u32 s25, $0x6;
	[sflag:s26] =	ssyncset.done @!p0 $0x0  }
0x25: {  	s28 =	sand.u32 $0x3FFFFFC0, s28;
	[sflag:s26] =	ssyncadd.s32 @!p0 $0xFFFFE000  }
0x26: {  	s29 =	simm.s32 $0x0;
	s26 =	simm.s32 $0x4B80;
	v4 =	vld [tilespmem:s28+$0x0]  }
0x27: {  	v5 =	vmov s29;
	v7 =	vld [tilespmem:s26+$0xFFFFFF80]  }
0x28: {  	v8 =	vand.u32 $0x7C, v5  }
0x29: {  	v9 =	vadd.s32 v0, v8;
	_ =	sdelay $0x2  }
0x2a: {  	v5 =	vld [tilespmem:s28+$0x10];
	v10 =	vadd.f32 v7, v4  }
0x2b: {  	v6 =	vld [tilespmem:s28+$0x20]  }
0x2c: {  	v7 =	vld [tilespmem:s28+$0x30];
	[tilespmem:v9+s17+$0x0] =	vst.idx.msk $0xffff, v10  }
0x2d: {  	v9 =	vld [tilespmem:s26+$0xFFFFFF90];
	_ =	sdelay $0x1  }
0x2e: {  	v10 =	vadd.s32 v1, v8;
	_ =	sdelay $0x2  }
0x2f: {  	v9 =	vadd.f32 v9, v5;
	_ =	sdelay $0x1  }
0x30: {  	[tilespmem:v10+s17+$0x0] =	vst.idx.msk $0xffff, v9  }
0x31: {  	v9 =	vld [tilespmem:s26+$0xFFFFFFA0];
	_ =	sdelay $0x1  }
0x32: {  	v10 =	vadd.s32 v2, v8;
	_ =	sdelay $0x2  }
0x33: {  	v9 =	vadd.f32 v9, v6;
	_ =	sdelay $0x1  }
0x34: {  	[tilespmem:v10+s17+$0x0] =	vst.idx.msk $0xffff, v9  }
0x35: {  	v9 =	vld [tilespmem:s26+$0xFFFFFFB0];
	_ =	sdelay $0x1  }
0x36: {  	v8 =	vadd.s32 v3, v8;
	_ =	sdelay $0x2  }
0x37: {  	v9 =	vadd.f32 v9, v7;
	_ =	sdelay $0x1  }
0x38: {  	s28 =	simm.s32 $0x1;
	[tilespmem:v8+s17+$0x0] =	vst.idx.msk $0xffff, v9  }
0x39: {  	v8 =	vmov s28;
	v9 =	vld [tilespmem:s26+$0xFFFFFFC0]  }
0x3a: {  	v8 =	vand.u32 $0x7D, v8  }
0x3b: {  	v10 =	vadd.s32 v0, v8;
	_ =	sdelay $0x2  }
0x3c: {  	v9 =	vadd.f32 v9, v4;
	_ =	sdelay $0x1  }
0x3d: {  	[tilespmem:v10+s17+$0x0] =	vst.idx.msk $0xffff, v9  }
0x3e: {  	v9 =	vld [tilespmem:s26+$0xFFFFFFD0];
	_ =	sdelay $0x1  }
0x3f: {  	v10 =	vadd.s32 v1, v8;
	_ =	sdelay $0x2  }
0x40: {  	v9 =	vadd.f32 v9, v5;
	_ =	sdelay $0x1  }
0x41: {  	[tilespmem:v10+s17+$0x0] =	vst.idx.msk $0xffff, v9  }
0x42: {  	v9 =	vld [tilespmem:s26+$0xFFFFFFE0];
	_ =	sdelay $0x1  }
0x43: {  	v10 =	vadd.s32 v2, v8;
	_ =	sdelay $0x2  }
0x44: {  	v9 =	vadd.f32 v9, v6;
	_ =	sdelay $0x1  }
0x45: {  	[tilespmem:v10+s17+$0x0] =	vst.idx.msk $0xffff, v9  }
0x46: {  	v9 =	vld [tilespmem:s26+$0xFFFFFFF0];
	_ =	sdelay $0x1  }
0x47: {  	v8 =	vadd.s32 v3, v8;
	_ =	sdelay $0x2  }
0x48: {  	v9 =	vadd.f32 v9, v7;
	_ =	sdelay $0x1  }
0x49: {  	s28 =	simm.s32 $0x2;
	[tilespmem:v8+s17+$0x0] =	vst.idx.msk $0xffff, v9  }
0x4a: {  	v8 =	vmov s28;
	v9 =	vld [tilespmem:s26+$0x0]  }
0x4b: {  	v8 =	vand.u32 $0x7E, v8  }
0x4c: {  	v10 =	vadd.s32 v0, v8;
	_ =	sdelay $0x2  }
0x4d: {  	v9 =	vadd.f32 v9, v4;
	_ =	sdelay $0x1  }
0x4e: {  	[tilespmem:v10+s17+$0x0] =	vst.idx.msk $0xffff, v9  }
0x4f: {  	v9 =	vld [tilespmem:s26+$0x10];
	_ =	sdelay $0x1  }
0x50: {  	v10 =	vadd.s32 v1, v8;
	_ =	sdelay $0x2  }
0x51: {  	v9 =	vadd.f32 v9, v5;
	_ =	sdelay $0x1  }
0x52: {  	[tilespmem:v10+s17+$0x0] =	vst.idx.msk $0xffff, v9  }
0x53: {  	v9 =	vld [tilespmem:s26+$0x20];
	_ =	sdelay $0x1  }
0x54: {  	v10 =	vadd.s32 v2, v8;
	_ =	sdelay $0x2  }
0x55: {  	v9 =	vadd.f32 v9, v6;
	_ =	sdelay $0x1  }
0x56: {  	[tilespmem:v10+s17+$0x0] =	vst.idx.msk $0xffff, v9  }
0x57: {  	v9 =	vld [tilespmem:s26+$0x30];
	_ =	sdelay $0x1  }
0x58: {  	v8 =	vadd.s32 v3, v8;
	_ =	sdelay $0x2  }
0x59: {  	v9 =	vadd.f32 v9, v7;
	_ =	sdelay $0x1  }
0x5a: {  	s28 =	simm.s32 $0x3;
	[tilespmem:v8+s17+$0x0] =	vst.idx.msk $0xffff, v9  }
0x5b: {  	v8 =	vmov s28;
	v9 =	vld [tilespmem:s26+$0x40]  }
0x5c: {  	v8 =	vand.u32 $0x7F, v8  }
0x5d: {  	v10 =	vadd.s32 v0, v8;
	_ =	sdelay $0x2  }
0x5e: {  	v9 =	vadd.f32 v9, v4;
	_ =	sdelay $0x1  }
0x5f: {  	[tilespmem:v10+s17+$0x0] =	vst.idx.msk $0xffff, v9  }
0x60: {  	v9 =	vld [tilespmem:s26+$0x50];
	_ =	sdelay $0x1  }
0x61: {  	v10 =	vadd.s32 v1, v8;
	_ =	sdelay $0x2  }
0x62: {  	v9 =	vadd.f32 v9, v5;
	_ =	sdelay $0x1  }
0x63: {  	[tilespmem:v10+s17+$0x0] =	vst.idx.msk $0xffff, v9  }
0x64: {  	v9 =	vld [tilespmem:s26+$0x60];
	_ =	sdelay $0x1  }
0x65: {  	v10 =	vadd.s32 v2, v8;
	_ =	sdelay $0x2  }
0x66: {  	v9 =	vadd.f32 v9, v6;
	_ =	sdelay $0x1  }
0x67: {  	[tilespmem:v10+s17+$0x0] =	vst.idx.msk $0xffff, v9  }
0x68: {  	v9 =	vld [tilespmem:s26+$0x70];
	_ =	sdelay $0x1  }
0x69: {  	v8 =	vadd.s32 v3, v8;
	_ =	sdelay $0x2  }
0x6a: {  	s28 =	simm.s32 $0x4;
	v9 =	vadd.f32 v9, v7  }
.LBB2_3:
0x6b: {  	p1 =	slt.u32 s28, $0x7C  }
0x6c: {  	s26 =	sadd.s32 $0x100, s26;
	s29 =	smov.u32 s28;
	s28 =	sadd.s32 $0x4, s28;
	[tilespmem:v8+s17+$0x0] =	vst.idx.msk $0xffff, v9  }
0x6d: {  	v8 =	vmov s29;
	v9 =	vld [tilespmem:s26+$0xFFFFFF80]  }
0x6e: {  	v8 =	vand.u32 $0x7C, v8  }
0x6f: {  	v10 =	vadd.s32 v0, v8;
	_ =	sdelay $0x2  }
0x70: {  	v9 =	vadd.f32 v9, v4;
	_ =	sdelay $0x1  }
0x71: {  	[tilespmem:v10+s17+$0x0] =	vst.idx.msk $0xffff, v9  }
0x72: {  	v9 =	vld [tilespmem:s26+$0xFFFFFF90];
	_ =	sdelay $0x1  }
0x73: {  	v10 =	vadd.s32 v1, v8;
	_ =	sdelay $0x2  }
0x74: {  	v9 =	vadd.f32 v9, v5;
	_ =	sdelay $0x1  }
0x75: {  	[tilespmem:v10+s17+$0x0] =	vst.idx.msk $0xffff, v9  }
0x76: {  	v9 =	vld [tilespmem:s26+$0xFFFFFFA0];
	_ =	sdelay $0x1  }
0x77: {  	v10 =	vadd.s32 v2, v8;
	_ =	sdelay $0x2  }
0x78: {  	v9 =	vadd.f32 v9, v6;
	_ =	sdelay $0x1  }
0x79: {  	[tilespmem:v10+s17+$0x0] =	vst.idx.msk $0xffff, v9  }
0x7a: {  	v9 =	vld [tilespmem:s26+$0xFFFFFFB0];
	_ =	sdelay $0x1  }
0x7b: {  	v8 =	vadd.s32 v3, v8;
	_ =	sdelay $0x2  }
0x7c: {  	v9 =	vadd.f32 v9, v7;
	_ =	sdelay $0x1  }
0x7d: {  	s30 =	sadd.s32 $0x1, s29;
	[tilespmem:v8+s17+$0x0] =	vst.idx.msk $0xffff, v9  }
0x7e: {  	v8 =	vmov s30;
	v9 =	vld [tilespmem:s26+$0xFFFFFFC0]  }
0x7f: {  	v8 =	vand.u32 $0x7D, v8  }
0x80: {  	v10 =	vadd.s32 v0, v8;
	_ =	sdelay $0x2  }
0x81: {  	v9 =	vadd.f32 v9, v4;
	_ =	sdelay $0x1  }
0x82: {  	[tilespmem:v10+s17+$0x0] =	vst.idx.msk $0xffff, v9  }
0x83: {  	v9 =	vld [tilespmem:s26+$0xFFFFFFD0];
	_ =	sdelay $0x1  }
0x84: {  	v10 =	vadd.s32 v1, v8;
	_ =	sdelay $0x2  }
0x85: {  	v9 =	vadd.f32 v9, v5;
	_ =	sdelay $0x1  }
0x86: {  	[tilespmem:v10+s17+$0x0] =	vst.idx.msk $0xffff, v9  }
0x87: {  	v9 =	vld [tilespmem:s26+$0xFFFFFFE0];
	_ =	sdelay $0x1  }
0x88: {  	v10 =	vadd.s32 v2, v8;
	_ =	sdelay $0x2  }
0x89: {  	v9 =	vadd.f32 v9, v6;
	_ =	sdelay $0x1  }
0x8a: {  	[tilespmem:v10+s17+$0x0] =	vst.idx.msk $0xffff, v9  }
0x8b: {  	v9 =	vld [tilespmem:s26+$0xFFFFFFF0];
	_ =	sdelay $0x1  }
0x8c: {  	v8 =	vadd.s32 v3, v8;
	_ =	sdelay $0x2  }
0x8d: {  	v9 =	vadd.f32 v9, v7;
	_ =	sdelay $0x1  }
0x8e: {  	s30 =	sadd.s32 $0x2, s29;
	[tilespmem:v8+s17+$0x0] =	vst.idx.msk $0xffff, v9  }
0x8f: {  	v8 =	vmov s30;
	v9 =	vld [tilespmem:s26+$0x0]  }
0x90: {  	v8 =	vand.u32 $0x7E, v8  }
0x91: {  	v10 =	vadd.s32 v0, v8;
	_ =	sdelay $0x2  }
0x92: {  	v9 =	vadd.f32 v9, v4;
	_ =	sdelay $0x1  }
0x93: {  	[tilespmem:v10+s17+$0x0] =	vst.idx.msk $0xffff, v9  }
0x94: {  	v9 =	vld [tilespmem:s26+$0x10];
	_ =	sdelay $0x1  }
0x95: {  	v10 =	vadd.s32 v1, v8;
	_ =	sdelay $0x2  }
0x96: {  	v9 =	vadd.f32 v9, v5;
	_ =	sdelay $0x1  }
0x97: {  	[tilespmem:v10+s17+$0x0] =	vst.idx.msk $0xffff, v9  }
0x98: {  	v9 =	vld [tilespmem:s26+$0x20];
	_ =	sdelay $0x1  }
0x99: {  	v10 =	vadd.s32 v2, v8;
	_ =	sdelay $0x2  }
0x9a: {  	v9 =	vadd.f32 v9, v6;
	_ =	sdelay $0x1  }
0x9b: {  	[tilespmem:v10+s17+$0x0] =	vst.idx.msk $0xffff, v9  }
0x9c: {  	v9 =	vld [tilespmem:s26+$0x30];
	_ =	sdelay $0x1  }
0x9d: {  	v8 =	vadd.s32 v3, v8;
	_ =	sdelay $0x2  }
0x9e: {  	v9 =	vadd.f32 v9, v7;
	_ =	sdelay $0x1  }
0x9f: {  	s29 =	sadd.s32 $0x3, s29;
	[tilespmem:v8+s17+$0x0] =	vst.idx.msk $0xffff, v9  }
0xa0: {  	v8 =	vmov s29;
	v9 =	vld [tilespmem:s26+$0x40]  }
0xa1: {  	v8 =	vand.u32 $0x7F, v8  }
0xa2: {  	v10 =	vadd.s32 v0, v8;
	_ =	sdelay $0x2  }
0xa3: {  	v9 =	vadd.f32 v9, v4;
	_ =	sdelay $0x1  }
0xa4: {  	[tilespmem:v10+s17+$0x0] =	vst.idx.msk $0xffff, v9  }
0xa5: {  	v9 =	vld [tilespmem:s26+$0x50];
	_ =	sdelay $0x1  }
0xa6: {  	v10 =	vadd.s32 v1, v8;
	_ =	sdelay $0x2  }
0xa7: {  	v9 =	vadd.f32 v9, v5;
	_ =	sdelay $0x1  }
0xa8: {  	[tilespmem:v10+s17+$0x0] =	vst.idx.msk $0xffff, v9  }
0xa9: {  	v9 =	vld [tilespmem:s26+$0x60];
	_ =	sdelay $0x1  }
0xaa: {  	v10 =	vadd.s32 v2, v8;
	_ =	sdelay $0x2  }
0xab: {  	v9 =	vadd.f32 v9, v6;
	_ =	sdelay $0x1  }
0xac: {  	[tilespmem:v10+s17+$0x0] =	vst.idx.msk $0xffff, v9  }
0xad: {  	v9 =	vld [tilespmem:s26+$0x70]  }
.Ltmp2:
0xae: {  	(pc) =	sbr.rel @p1 .LBB2_3-.Ltmp2, $2  }
0xaf: {  	v8 =	vadd.s32 v3, v8;
	_ =	sdelay $0x2  }
0xb0: {  	v9 =	vadd.f32 v9, v7  }
0xb1: {  	_ = 	snop  }
0xb2: {  	s25 =	sshll.u32 s25, $0x10  }
0xb3: {  	s25 =	sor.u32 s8, s25  }
0xb4: {  	s25 =	sshrl.u32 s25, $0x3  }
0xb5: {  	s31 =	simm.s32 $0x8B00;
	[tilespmem:v8+s17+$0x0] =	vst.idx.msk $0xffff, v9;
	s26 =	sadd.s32 s2, s25  }
0xb6: {  	[hbm4b:s26+s3] =	stream.linear.scatter [tilespmem:s31], [sflag:$0x3], $0x80, $0x38;
	[tilespmem:$0xCF00] =	vst v63  }
0xb7: {  	s31 =	simm.s32 $0x8B88;
	s28 =	sadd.s32 $0x10, s26  }
0xb8: {  	[hbm4b:s28+s3] =	stream.linear.scatter [tilespmem:s31], [sflag:$0x3], $0x80, $0x38;
	[tilespmem:$0xCF00] =	vst v63  }
0xb9: {  	s31 =	simm.s32 $0x8C10;
	s28 =	sadd.s32 $0x20, s26  }
0xba: {  	[hbm4b:s28+s3] =	stream.linear.scatter [tilespmem:s31], [sflag:$0x3], $0x80, $0x38;
	[tilespmem:$0xCF00] =	vst v63  }
0xbb: {  	s31 =	simm.s32 $0x8C98;
	s28 =	sadd.s32 $0x30, s26  }
0xbc: {  	[hbm4b:s28+s3] =	stream.linear.scatter [tilespmem:s31], [sflag:$0x3], $0x80, $0x38;
	[tilespmem:$0xCF00] =	vst v63  }
0xbd: {  	s31 =	simm.s32 $0x8D20;
	s28 =	sadd.s32 $0x40, s26  }
0xbe: {  	[hbm4b:s28+s3] =	stream.linear.scatter [tilespmem:s31], [sflag:$0x3], $0x80, $0x38;
	[tilespmem:$0xCF00] =	vst v63  }
0xbf: {  	s29 =	simm.s32 $0x8EB8;
	s31 =	simm.s32 $0x8DA8;
	s28 =	sadd.s32 $0x50, s26  }
0xc0: {  	[hbm4b:s28+s3] =	stream.linear.scatter [tilespmem:s31], [sflag:$0x3], $0x80, $0x38;
	[tilespmem:$0xCF00] =	vst v63  }
0xc1: {  	s25 =	simm.s32 $0x440;
	s31 =	simm.s32 $0x8E30;
	s28 =	sadd.s32 $0x60, s26  }
0xc2: {  	[hbm4b:s28+s3] =	stream.linear.scatter [tilespmem:s31], [sflag:$0x3], $0x80, $0x38;
	[tilespmem:$0xCF00] =	vst v63  }
0xc3: {  	s30 =	sadd.s32 $0x70, s26;
	s26 =	sadd.s32 $0x400, s26;
	s28 =	simm.s32 $0x2200  }
.LBB2_5:
0xc4: {  	[hbm4b:s30+s3] =	stream.linear.scatter [tilespmem:s29], [sflag:$0x3], $0x80, $0x38;
	[tilespmem:$0xCF00] =	vst v63  }
0xc5: {  	s29 =	smov.u32 s25;
	s25 =	smov.u32 s28  }
0xc6: {  	s31 =	sadd.s32 $0x1100, s28;
	s25 =	sshra.s32 s25, $0x2;
	s30 =	sadd.s32 $0x8B00, s29  }
0xc7: {  	[hbm4b:s26+s3] =	stream.linear.scatter [tilespmem:s30], [sflag:$0x3], $0x80, $0x38;
	[tilespmem:$0xCF00] =	vst v63  }
0xc8: {  	p1 =	sne.s32 s28, $0x7700;
	s28 =	sadd.s32 $0x8B88, s29;
	s30 =	sadd.s32 $0x10, s26  }
0xc9: {  	[hbm4b:s30+s3] =	stream.linear.scatter [tilespmem:s28], [sflag:$0x3], $0x80, $0x38;
	[tilespmem:$0xCF00] =	vst v63  }
0xca: {  	s28 =	sadd.s32 $0x8C10, s29;
	s30 =	sadd.s32 $0x20, s26  }
0xcb: {  	[hbm4b:s30+s3] =	stream.linear.scatter [tilespmem:s28], [sflag:$0x3], $0x80, $0x38;
	[tilespmem:$0xCF00] =	vst v63  }
0xcc: {  	s28 =	sadd.s32 $0x8C98, s29;
	s30 =	sadd.s32 $0x30, s26  }
0xcd: {  	[hbm4b:s30+s3] =	stream.linear.scatter [tilespmem:s28], [sflag:$0x3], $0x80, $0x38;
	[tilespmem:$0xCF00] =	vst v63  }
0xce: {  	s28 =	sadd.s32 $0x8D20, s29;
	s30 =	sadd.s32 $0x40, s26  }
0xcf: {  	[hbm4b:s30+s3] =	stream.linear.scatter [tilespmem:s28], [sflag:$0x3], $0x80, $0x38;
	[tilespmem:$0xCF00] =	vst v63  }
.Ltmp3:
0xd0: {  	s28 =	sadd.s32 $0x8DA8, s29;
	s30 =	sadd.s32 $0x50, s26;
	(pc) =	sbr.rel @p1 .LBB2_5-.Ltmp3, $4  }
0xd1: {  	[hbm4b:s30+s3] =	stream.linear.scatter [tilespmem:s28], [sflag:$0x3], $0x80, $0x38;
	[tilespmem:$0xCF00] =	vst v63  }
0xd2: {  	s28 =	sadd.s32 $0x8E30, s29;
	s30 =	sadd.s32 $0x60, s26;
	s29 =	sadd.s32 $0x8EB8, s29  }
0xd3: {  	[hbm4b:s30+s3] =	stream.linear.scatter [tilespmem:s28], [sflag:$0x3], $0x80, $0x38;
	[tilespmem:$0xCF00] =	vst v63  }
0xd4: {  	s30 =	sadd.s32 $0x70, s26;
	s26 =	sadd.s32 $0x400, s26;
	s28 =	smov.u32 s31  }
0xd5: {  	[hbm4b:s30+s3] =	stream.linear.scatter [tilespmem:s29], [sflag:$0x3], $0x80, $0x38;
	[tilespmem:$0xCF00] =	vst v63  }
0xd6: {  	s28 =	sadd.s32 $0x8B00, s25  }
0xd7: {  	[hbm4b:s26+s3] =	stream.linear.scatter [tilespmem:s28], [sflag:$0x3], $0x80, $0x38;
	[tilespmem:$0xCF00] =	vst v63  }
0xd8: {  	s30 =	sadd.s32 $0x8B88, s25;
	s31 =	sadd.s32 $0x10, s26  }
0xd9: {  	[hbm4b:s31+s3] =	stream.linear.scatter [tilespmem:s30], [sflag:$0x3], $0x80, $0x38;
	[tilespmem:$0xCF00] =	vst v63  }
0xda: {  	s30 =	sadd.s32 $0x8C10, s25;
	s31 =	sadd.s32 $0x20, s26  }
0xdb: {  	[hbm4b:s31+s3] =	stream.linear.scatter [tilespmem:s30], [sflag:$0x3], $0x80, $0x38;
	[tilespmem:$0xCF00] =	vst v63  }
0xdc: {  	s30 =	sadd.s32 $0x8C98, s25;
	s31 =	sadd.s32 $0x30, s26  }
0xdd: {  	[hbm4b:s31+s3] =	stream.linear.scatter [tilespmem:s30], [sflag:$0x3], $0x80, $0x38;
	[tilespmem:$0xCF00] =	vst v63  }
0xde: {  	p1 =	seq.s32 s23, $0x18;
	s30 =	sadd.s32 $0x8D20, s25;
	s31 =	sadd.s32 $0x40, s26  }
0xdf: {  	[hbm4b:s31+s3] =	stream.linear.scatter [tilespmem:s30], [sflag:$0x3], $0x80, $0x38;
	[tilespmem:$0xCF00] =	vst v63  }
0xe0: {  	s28 =	sadd.s32 $0x8EB8, s25;
	s30 =	sadd.s32 $0x8DA8, s25;
	s31 =	sadd.s32 $0x50, s26  }
0xe1: {  	[hbm4b:s31+s3] =	stream.linear.scatter [tilespmem:s30], [sflag:$0x3], $0x80, $0x38;
	[tilespmem:$0xCF00] =	vst v63  }
0xe2: {  	s30 =	sadd.s32 $0x8E30, s25;
	s31 =	sadd.s32 $0x60, s26;
	s25 =	sshll.u32 @!p1 s23, $0x8  }
0xe3: {  	[hbm4b:s31+s3] =	stream.linear.scatter [tilespmem:s30], [sflag:$0x3], $0x80, $0x38;
	[tilespmem:$0xCF00] =	vst v63  }
0xe4: {  	s29 =	sadd.s32 $0x70, s26;
	s25 =	sand.u32 @!p1 $0x3FFFFF00, s25  }
0xe5: {  	[hbm4b:s29+s3] =	stream.linear.scatter [tilespmem:s28], [sflag:$0x3], $0x80, $0x38;
	[tilespmem:$0xCF00] =	vst v63  }
0xe6: {  	s26 =	simm.s32 @!p1 $0x80;
	s25 =	sadd.s32 @!p1 $0x3300, s25;
	s28 =	simm.s32 @!p1 $0x4B00  }
0xe7: {  	[tilespmem:s28], [sflag:$0x1] =	stream.indirect.gather @!p1 [hbm4b:s4+s26], $0x40, s25, s26, $0xb8;
	[tilespmem:$0xCF00] =	vst v63  }
0xe8: {  	_ =	swait.ge [sflag:s18], $0x2000  }
0xe9: {  	[sflag:s18] =	ssyncset.done $0x0  }
0xea: {  	s24 =	sor.u32 $0x1, s24;
	s25 =	simm.s32 @!p0 $0x4;
	[sflag:s18] =	ssyncadd.s32 $0xFFFFE000  }
0xeb: {  	s24 =	sadd.s32 s6, s24;
	_ =	swait.ge @!p0 [sflag:s25], $0x2000  }
0xec: {  	s30 =	sshll.u32 s24, $0x6;
	[sflag:s25] =	ssyncset.done @!p0 $0x0  }
0xed: {  	s26 =	sand.u32 $0x3FFFFFC0, s30;
	[sflag:s25] =	ssyncadd.s32 @!p0 $0xFFFFE000  }
0xee: {  	s31 =	simm.s32 $0x0;
	s25 =	simm.s32 $0x6B80;
	v4 =	vld [tilespmem:s26+$0x0]  }
0xef: {  	v5 =	vmov s31;
	v7 =	vld [tilespmem:s25+$0xFFFFFF80]  }
0xf0: {  	v8 =	vand.u32 $0x7C, v5  }
0xf1: {  	v9 =	vadd.s32 v0, v8;
	_ =	sdelay $0x2  }
0xf2: {  	v5 =	vld [tilespmem:s26+$0x10];
	v10 =	vadd.f32 v7, v4  }
0xf3: {  	v6 =	vld [tilespmem:s26+$0x20]  }
0xf4: {  	v7 =	vld [tilespmem:s26+$0x30];
	[tilespmem:v9+s19+$0x0] =	vst.idx.msk $0xffff, v10  }
0xf5: {  	v9 =	vld [tilespmem:s25+$0xFFFFFF90];
	_ =	sdelay $0x1  }
0xf6: {  	v10 =	vadd.s32 v1, v8;
	_ =	sdelay $0x2  }
0xf7: {  	v9 =	vadd.f32 v9, v5;
	_ =	sdelay $0x1  }
0xf8: {  	[tilespmem:v10+s19+$0x0] =	vst.idx.msk $0xffff, v9  }
0xf9: {  	v9 =	vld [tilespmem:s25+$0xFFFFFFA0];
	_ =	sdelay $0x1  }
0xfa: {  	v10 =	vadd.s32 v2, v8;
	_ =	sdelay $0x2  }
0xfb: {  	v9 =	vadd.f32 v9, v6;
	_ =	sdelay $0x1  }
0xfc: {  	[tilespmem:v10+s19+$0x0] =	vst.idx.msk $0xffff, v9  }
0xfd: {  	v9 =	vld [tilespmem:s25+$0xFFFFFFB0];
	_ =	sdelay $0x1  }
0xfe: {  	v8 =	vadd.s32 v3, v8;
	_ =	sdelay $0x2  }
0xff: {  	v9 =	vadd.f32 v9, v7;
	_ =	sdelay $0x1  }
0x100: {  	s29 =	simm.s32 $0x1;
	[tilespmem:v8+s19+$0x0] =	vst.idx.msk $0xffff, v9  }
0x101: {  	v8 =	vmov s29;
	v9 =	vld [tilespmem:s25+$0xFFFFFFC0]  }
0x102: {  	v8 =	vand.u32 $0x7D, v8  }
0x103: {  	v10 =	vadd.s32 v0, v8;
	_ =	sdelay $0x2  }
0x104: {  	v9 =	vadd.f32 v9, v4;
	_ =	sdelay $0x1  }
0x105: {  	[tilespmem:v10+s19+$0x0] =	vst.idx.msk $0xffff, v9  }
0x106: {  	v9 =	vld [tilespmem:s25+$0xFFFFFFD0];
	_ =	sdelay $0x1  }
0x107: {  	v10 =	vadd.s32 v1, v8;
	_ =	sdelay $0x2  }
0x108: {  	v9 =	vadd.f32 v9, v5;
	_ =	sdelay $0x1  }
0x109: {  	[tilespmem:v10+s19+$0x0] =	vst.idx.msk $0xffff, v9  }
0x10a: {  	v9 =	vld [tilespmem:s25+$0xFFFFFFE0];
	_ =	sdelay $0x1  }
0x10b: {  	v10 =	vadd.s32 v2, v8;
	_ =	sdelay $0x2  }
0x10c: {  	v9 =	vadd.f32 v9, v6;
	_ =	sdelay $0x1  }
0x10d: {  	[tilespmem:v10+s19+$0x0] =	vst.idx.msk $0xffff, v9  }
0x10e: {  	v9 =	vld [tilespmem:s25+$0xFFFFFFF0];
	_ =	sdelay $0x1  }
0x10f: {  	v8 =	vadd.s32 v3, v8;
	_ =	sdelay $0x2  }
0x110: {  	v9 =	vadd.f32 v9, v7;
	_ =	sdelay $0x1  }
0x111: {  	s30 =	simm.s32 $0x2;
	[tilespmem:v8+s19+$0x0] =	vst.idx.msk $0xffff, v9  }
0x112: {  	v8 =	vmov s30;
	v9 =	vld [tilespmem:s25+$0x0]  }
0x113: {  	v8 =	vand.u32 $0x7E, v8  }
0x114: {  	v10 =	vadd.s32 v0, v8;
	_ =	sdelay $0x2  }
0x115: {  	v9 =	vadd.f32 v9, v4;
	_ =	sdelay $0x1  }
0x116: {  	[tilespmem:v10+s19+$0x0] =	vst.idx.msk $0xffff, v9  }
0x117: {  	v9 =	vld [tilespmem:s25+$0x10];
	_ =	sdelay $0x1  }
0x118: {  	v10 =	vadd.s32 v1, v8;
	_ =	sdelay $0x2  }
0x119: {  	v9 =	vadd.f32 v9, v5;
	_ =	sdelay $0x1  }
0x11a: {  	[tilespmem:v10+s19+$0x0] =	vst.idx.msk $0xffff, v9  }
0x11b: {  	v9 =	vld [tilespmem:s25+$0x20];
	_ =	sdelay $0x1  }
0x11c: {  	v10 =	vadd.s32 v2, v8;
	_ =	sdelay $0x2  }
0x11d: {  	v9 =	vadd.f32 v9, v6;
	_ =	sdelay $0x1  }
0x11e: {  	[tilespmem:v10+s19+$0x0] =	vst.idx.msk $0xffff, v9  }
0x11f: {  	v9 =	vld [tilespmem:s25+$0x30];
	_ =	sdelay $0x1  }
0x120: {  	v8 =	vadd.s32 v3, v8;
	_ =	sdelay $0x2  }
0x121: {  	v9 =	vadd.f32 v9, v7;
	_ =	sdelay $0x1  }
0x122: {  	s31 =	simm.s32 $0x3;
	[tilespmem:v8+s19+$0x0] =	vst.idx.msk $0xffff, v9  }
0x123: {  	v8 =	vmov s31;
	v9 =	vld [tilespmem:s25+$0x40]  }
0x124: {  	v8 =	vand.u32 $0x7F, v8  }
0x125: {  	v10 =	vadd.s32 v0, v8;
	_ =	sdelay $0x2  }
0x126: {  	v9 =	vadd.f32 v9, v4;
	_ =	sdelay $0x1  }
0x127: {  	[tilespmem:v10+s19+$0x0] =	vst.idx.msk $0xffff, v9  }
0x128: {  	v9 =	vld [tilespmem:s25+$0x50];
	_ =	sdelay $0x1  }
0x129: {  	v10 =	vadd.s32 v1, v8;
	_ =	sdelay $0x2  }
0x12a: {  	v9 =	vadd.f32 v9, v5;
	_ =	sdelay $0x1  }
0x12b: {  	[tilespmem:v10+s19+$0x0] =	vst.idx.msk $0xffff, v9  }
0x12c: {  	v9 =	vld [tilespmem:s25+$0x60];
	_ =	sdelay $0x1  }
0x12d: {  	v10 =	vadd.s32 v2, v8;
	_ =	sdelay $0x2  }
0x12e: {  	v9 =	vadd.f32 v9, v6;
	_ =	sdelay $0x1  }
0x12f: {  	[tilespmem:v10+s19+$0x0] =	vst.idx.msk $0xffff, v9  }
0x130: {  	v9 =	vld [tilespmem:s25+$0x70];
	_ =	sdelay $0x1  }
0x131: {  	v8 =	vadd.s32 v3, v8;
	_ =	sdelay $0x2  }
0x132: {  	s26 =	simm.s32 $0x4;
	v9 =	vadd.f32 v9, v7  }
.LBB2_7:
0x133: {  	p0 =	slt.u32 s26, $0x7C  }
0x134: {  	s25 =	sadd.s32 $0x100, s25;
	s28 =	smov.u32 s26;
	s26 =	sadd.s32 $0x4, s26;
	[tilespmem:v8+s19+$0x0] =	vst.idx.msk $0xffff, v9  }
0x135: {  	v8 =	vmov s28;
	v9 =	vld [tilespmem:s25+$0xFFFFFF80]  }
0x136: {  	v8 =	vand.u32 $0x7C, v8  }
0x137: {  	v10 =	vadd.s32 v0, v8;
	_ =	sdelay $0x2  }
0x138: {  	v9 =	vadd.f32 v9, v4;
	_ =	sdelay $0x1  }
0x139: {  	[tilespmem:v10+s19+$0x0] =	vst.idx.msk $0xffff, v9  }
0x13a: {  	v9 =	vld [tilespmem:s25+$0xFFFFFF90];
	_ =	sdelay $0x1  }
0x13b: {  	v10 =	vadd.s32 v1, v8;
	_ =	sdelay $0x2  }
0x13c: {  	v9 =	vadd.f32 v9, v5;
	_ =	sdelay $0x1  }
0x13d: {  	[tilespmem:v10+s19+$0x0] =	vst.idx.msk $0xffff, v9  }
0x13e: {  	v9 =	vld [tilespmem:s25+$0xFFFFFFA0];
	_ =	sdelay $0x1  }
0x13f: {  	v10 =	vadd.s32 v2, v8;
	_ =	sdelay $0x2  }
0x140: {  	v9 =	vadd.f32 v9, v6;
	_ =	sdelay $0x1  }
0x141: {  	[tilespmem:v10+s19+$0x0] =	vst.idx.msk $0xffff, v9  }
0x142: {  	v9 =	vld [tilespmem:s25+$0xFFFFFFB0];
	_ =	sdelay $0x1  }
0x143: {  	v8 =	vadd.s32 v3, v8;
	_ =	sdelay $0x2  }
0x144: {  	v9 =	vadd.f32 v9, v7;
	_ =	sdelay $0x1  }
0x145: {  	s29 =	sadd.s32 $0x1, s28;
	[tilespmem:v8+s19+$0x0] =	vst.idx.msk $0xffff, v9  }
0x146: {  	v8 =	vmov s29;
	v9 =	vld [tilespmem:s25+$0xFFFFFFC0]  }
0x147: {  	v8 =	vand.u32 $0x7D, v8  }
0x148: {  	v10 =	vadd.s32 v0, v8;
	_ =	sdelay $0x2  }
0x149: {  	v9 =	vadd.f32 v9, v4;
	_ =	sdelay $0x1  }
0x14a: {  	[tilespmem:v10+s19+$0x0] =	vst.idx.msk $0xffff, v9  }
0x14b: {  	v9 =	vld [tilespmem:s25+$0xFFFFFFD0];
	_ =	sdelay $0x1  }
0x14c: {  	v10 =	vadd.s32 v1, v8;
	_ =	sdelay $0x2  }
0x14d: {  	v9 =	vadd.f32 v9, v5;
	_ =	sdelay $0x1  }
0x14e: {  	[tilespmem:v10+s19+$0x0] =	vst.idx.msk $0xffff, v9  }
0x14f: {  	v9 =	vld [tilespmem:s25+$0xFFFFFFE0];
	_ =	sdelay $0x1  }
0x150: {  	v10 =	vadd.s32 v2, v8;
	_ =	sdelay $0x2  }
0x151: {  	v9 =	vadd.f32 v9, v6;
	_ =	sdelay $0x1  }
0x152: {  	[tilespmem:v10+s19+$0x0] =	vst.idx.msk $0xffff, v9  }
0x153: {  	v9 =	vld [tilespmem:s25+$0xFFFFFFF0];
	_ =	sdelay $0x1  }
0x154: {  	v8 =	vadd.s32 v3, v8;
	_ =	sdelay $0x2  }
0x155: {  	v9 =	vadd.f32 v9, v7;
	_ =	sdelay $0x1  }
0x156: {  	s29 =	sadd.s32 $0x2, s28;
	[tilespmem:v8+s19+$0x0] =	vst.idx.msk $0xffff, v9  }
0x157: {  	v8 =	vmov s29;
	v9 =	vld [tilespmem:s25+$0x0]  }
0x158: {  	v8 =	vand.u32 $0x7E, v8  }
0x159: {  	v10 =	vadd.s32 v0, v8;
	_ =	sdelay $0x2  }
0x15a: {  	v9 =	vadd.f32 v9, v4;
	_ =	sdelay $0x1  }
0x15b: {  	[tilespmem:v10+s19+$0x0] =	vst.idx.msk $0xffff, v9  }
0x15c: {  	v9 =	vld [tilespmem:s25+$0x10];
	_ =	sdelay $0x1  }
0x15d: {  	v10 =	vadd.s32 v1, v8;
	_ =	sdelay $0x2  }
0x15e: {  	v9 =	vadd.f32 v9, v5;
	_ =	sdelay $0x1  }
0x15f: {  	[tilespmem:v10+s19+$0x0] =	vst.idx.msk $0xffff, v9  }
0x160: {  	v9 =	vld [tilespmem:s25+$0x20];
	_ =	sdelay $0x1  }
0x161: {  	v10 =	vadd.s32 v2, v8;
	_ =	sdelay $0x2  }
0x162: {  	v9 =	vadd.f32 v9, v6;
	_ =	sdelay $0x1  }
0x163: {  	[tilespmem:v10+s19+$0x0] =	vst.idx.msk $0xffff, v9  }
0x164: {  	v9 =	vld [tilespmem:s25+$0x30];
	_ =	sdelay $0x1  }
0x165: {  	v8 =	vadd.s32 v3, v8;
	_ =	sdelay $0x2  }
0x166: {  	v9 =	vadd.f32 v9, v7;
	_ =	sdelay $0x1  }
0x167: {  	s28 =	sadd.s32 $0x3, s28;
	[tilespmem:v8+s19+$0x0] =	vst.idx.msk $0xffff, v9  }
0x168: {  	v8 =	vmov s28;
	v9 =	vld [tilespmem:s25+$0x40]  }
0x169: {  	v8 =	vand.u32 $0x7F, v8  }
0x16a: {  	v10 =	vadd.s32 v0, v8;
	_ =	sdelay $0x2  }
0x16b: {  	v9 =	vadd.f32 v9, v4;
	_ =	sdelay $0x1  }
0x16c: {  	[tilespmem:v10+s19+$0x0] =	vst.idx.msk $0xffff, v9  }
0x16d: {  	v9 =	vld [tilespmem:s25+$0x50];
	_ =	sdelay $0x1  }
0x16e: {  	v10 =	vadd.s32 v1, v8;
	_ =	sdelay $0x2  }
0x16f: {  	v9 =	vadd.f32 v9, v5;
	_ =	sdelay $0x1  }
0x170: {  	[tilespmem:v10+s19+$0x0] =	vst.idx.msk $0xffff, v9  }
0x171: {  	v9 =	vld [tilespmem:s25+$0x60];
	_ =	sdelay $0x1  }
0x172: {  	v10 =	vadd.s32 v2, v8;
	_ =	sdelay $0x2  }
0x173: {  	v9 =	vadd.f32 v9, v6;
	_ =	sdelay $0x1  }
0x174: {  	[tilespmem:v10+s19+$0x0] =	vst.idx.msk $0xffff, v9  }
0x175: {  	v9 =	vld [tilespmem:s25+$0x70]  }
.Ltmp4:
0x176: {  	(pc) =	sbr.rel @p0 .LBB2_7-.Ltmp4, $2  }
0x177: {  	v8 =	vadd.s32 v3, v8;
	_ =	sdelay $0x2  }
0x178: {  	v9 =	vadd.f32 v9, v7  }
0x179: {  	_ = 	snop  }
0x17a: {  	s24 =	sshll.u32 s24, $0x10  }
0x17b: {  	s24 =	sor.u32 s8, s24  }
0x17c: {  	s24 =	sshrl.u32 s24, $0x3  }
0x17d: {  	s30 =	simm.s32 $0xAD00;
	[tilespmem:v8+s19+$0x0] =	vst.idx.msk $0xffff, v9;
	s25 =	sadd.s32 s2, s24  }
0x17e: {  	[hbm4b:s25+s3] =	stream.linear.scatter [tilespmem:s30], [sflag:$0x4], $0x80, $0x38;
	[tilespmem:$0xCF00] =	vst v63  }
0x17f: {  	s31 =	simm.s32 $0xAD88;
	s26 =	sadd.s32 $0x10, s25  }
0x180: {  	[hbm4b:s26+s3] =	stream.linear.scatter [tilespmem:s31], [sflag:$0x4], $0x80, $0x38;
	[tilespmem:$0xCF00] =	vst v63  }
0x181: {  	s28 =	simm.s32 $0xB0B8;
	s30 =	simm.s32 $0xAE10;
	s31 =	sadd.s32 $0x20, s25  }
0x182: {  	[hbm4b:s31+s3] =	stream.linear.scatter [tilespmem:s30], [sflag:$0x4], $0x80, $0x38;
	[tilespmem:$0xCF00] =	vst v63  }
0x183: {  	s24 =	simm.s32 $0x440;
	s30 =	simm.s32 $0xAE98;
	s31 =	sadd.s32 $0x30, s25  }
0x184: {  	[hbm4b:s31+s3] =	stream.linear.scatter [tilespmem:s30], [sflag:$0x4], $0x80, $0x38;
	[tilespmem:$0xCF00] =	vst v63  }
0x185: {  	s29 =	sadd.s32 $0x70, s25;
	s30 =	simm.s32 $0xAF20;
	s31 =	sadd.s32 $0x40, s25  }
0x186: {  	[hbm4b:s31+s3] =	stream.linear.scatter [tilespmem:s30], [sflag:$0x4], $0x80, $0x38;
	[tilespmem:$0xCF00] =	vst v63  }
0x187: {  	s26 =	simm.s32 $0x2200;
	s30 =	simm.s32 $0xAFA8;
	s31 =	sadd.s32 $0x50, s25  }
0x188: {  	[hbm4b:s31+s3] =	stream.linear.scatter [tilespmem:s30], [sflag:$0x4], $0x80, $0x38;
	[tilespmem:$0xCF00] =	vst v63  }
0x189: {  	s30 =	simm.s32 $0xB030;
	s31 =	sadd.s32 $0x60, s25;
	s25 =	sadd.s32 $0x400, s25  }
0x18a: {  	[hbm4b:s31+s3] =	stream.linear.scatter [tilespmem:s30], [sflag:$0x4], $0x80, $0x38;
	[tilespmem:$0xCF00] =	vst v63  }
.LBB2_9:
0x18b: {  	[hbm4b:s29+s3] =	stream.linear.scatter [tilespmem:s28], [sflag:$0x4], $0x80, $0x38;
	[tilespmem:$0xCF00] =	vst v63  }
0x18c: {  	s28 =	smov.u32 s24;
	s24 =	smov.u32 s26  }
0x18d: {  	s30 =	sadd.s32 $0x1100, s26;
	s24 =	sshra.s32 s24, $0x2;
	s29 =	sadd.s32 $0xAD00, s28  }
0x18e: {  	[hbm4b:s25+s3] =	stream.linear.scatter [tilespmem:s29], [sflag:$0x4], $0x80, $0x38;
	[tilespmem:$0xCF00] =	vst v63  }
0x18f: {  	p0 =	sne.s32 s26, $0x7700;
	s26 =	sadd.s32 $0xAD88, s28;
	s29 =	sadd.s32 $0x10, s25  }
0x190: {  	[hbm4b:s29+s3] =	stream.linear.scatter [tilespmem:s26], [sflag:$0x4], $0x80, $0x38;
	[tilespmem:$0xCF00] =	vst v63  }
0x191: {  	s26 =	sadd.s32 $0xAE10, s28;
	s29 =	sadd.s32 $0x20, s25  }
0x192: {  	[hbm4b:s29+s3] =	stream.linear.scatter [tilespmem:s26], [sflag:$0x4], $0x80, $0x38;
	[tilespmem:$0xCF00] =	vst v63  }
0x193: {  	s26 =	sadd.s32 $0xAE98, s28;
	s29 =	sadd.s32 $0x30, s25  }
0x194: {  	[hbm4b:s29+s3] =	stream.linear.scatter [tilespmem:s26], [sflag:$0x4], $0x80, $0x38;
	[tilespmem:$0xCF00] =	vst v63  }
0x195: {  	s26 =	sadd.s32 $0xAF20, s28;
	s29 =	sadd.s32 $0x40, s25  }
0x196: {  	[hbm4b:s29+s3] =	stream.linear.scatter [tilespmem:s26], [sflag:$0x4], $0x80, $0x38;
	[tilespmem:$0xCF00] =	vst v63  }
.Ltmp5:
0x197: {  	s26 =	sadd.s32 $0xAFA8, s28;
	s29 =	sadd.s32 $0x50, s25;
	(pc) =	sbr.rel @p0 .LBB2_9-.Ltmp5, $4  }
0x198: {  	[hbm4b:s29+s3] =	stream.linear.scatter [tilespmem:s26], [sflag:$0x4], $0x80, $0x38;
	[tilespmem:$0xCF00] =	vst v63  }
0x199: {  	s26 =	sadd.s32 $0xB030, s28;
	s29 =	sadd.s32 $0x60, s25;
	s28 =	sadd.s32 $0xB0B8, s28  }
0x19a: {  	[hbm4b:s29+s3] =	stream.linear.scatter [tilespmem:s26], [sflag:$0x4], $0x80, $0x38;
	[tilespmem:$0xCF00] =	vst v63  }
0x19b: {  	s29 =	sadd.s32 $0x70, s25;
	s25 =	sadd.s32 $0x400, s25;
	s26 =	smov.u32 s30  }
0x19c: {  	[hbm4b:s29+s3] =	stream.linear.scatter [tilespmem:s28], [sflag:$0x4], $0x80, $0x38;
	[tilespmem:$0xCF00] =	vst v63  }
0x19d: {  	s26 =	sadd.s32 $0xAD00, s24  }
0x19e: {  	[hbm4b:s25+s3] =	stream.linear.scatter [tilespmem:s26], [sflag:$0x4], $0x80, $0x38;
	[tilespmem:$0xCF00] =	vst v63  }
0x19f: {  	s30 =	sadd.s32 $0xAD88, s24;
	s31 =	sadd.s32 $0x10, s25  }
0x1a0: {  	[hbm4b:s31+s3] =	stream.linear.scatter [tilespmem:s30], [sflag:$0x4], $0x80, $0x38;
	[tilespmem:$0xCF00] =	vst v63  }
0x1a1: {  	s29 =	sadd.s32 $0xAE10, s24;
	s30 =	sadd.s32 $0x20, s25  }
0x1a2: {  	[hbm4b:s30+s3] =	stream.linear.scatter [tilespmem:s29], [sflag:$0x4], $0x80, $0x38;
	[tilespmem:$0xCF00] =	vst v63  }
0x1a3: {  	s31 =	sadd.s32 $0xAE98, s24;
	s29 =	sadd.s32 $0x30, s25  }
0x1a4: {  	[hbm4b:s29+s3] =	stream.linear.scatter [tilespmem:s31], [sflag:$0x4], $0x80, $0x38;
	[tilespmem:$0xCF00] =	vst v63  }
0x1a5: {  	s30 =	sadd.s32 $0xAF20, s24;
	s31 =	sadd.s32 $0x40, s25  }
0x1a6: {  	[hbm4b:s31+s3] =	stream.linear.scatter [tilespmem:s30], [sflag:$0x4], $0x80, $0x38;
	[tilespmem:$0xCF00] =	vst v63  }
0x1a7: {  	s29 =	sadd.s32 $0xAFA8, s24;
	s30 =	sadd.s32 $0x50, s25  }
0x1a8: {  	[hbm4b:s30+s3] =	stream.linear.scatter [tilespmem:s29], [sflag:$0x4], $0x80, $0x38;
	[tilespmem:$0xCF00] =	vst v63  }
.Ltmp6:
0x1a9: {  	_ = 	snop;
	(pc) =	sbr.rel @p1 .LBB2_12-.Ltmp6, $4  }
0x1aa: {  	s31 =	sadd.s32 $0xB030, s24;
	s29 =	sadd.s32 $0x60, s25  }
0x1ab: {  	[hbm4b:s29+s3] =	stream.linear.scatter [tilespmem:s31], [sflag:$0x4], $0x80, $0x38;
	[tilespmem:$0xCF00] =	vst v63  }
0x1ac: {  	s30 =	sadd.s32 $0xB0B8, s24;
	s31 =	sadd.s32 $0x70, s25  }
0x1ad: {  	[hbm4b:s31+s3] =	stream.linear.scatter [tilespmem:s30], [sflag:$0x4], $0x80, $0x38;
	[tilespmem:$0xCF00] =	vst v63  }
.Ltmp7:
0x1ae: {  	(pc) =	sbr.rel .LBB2_2-.Ltmp7, $4  }
0x1af: {  	s24 =	sshll.u32 s23, $0x8  }
0x1b0: {  	s24 =	sand.u32 $0x3FFFFF00, s24  }
0x1b1: {  	s23 =	sadd.s32 $0x1, s23;
	s24 =	sadd.s32 $0x3380, s24  }
0x1b2: {  	[tilespmem:s15], [sflag:$0x2] =	stream.indirect.gather [hbm4b:s4+s12], $0x40, s24, s12, $0xb8;
	[tilespmem:$0xCF00] =	vst v63  }
.LBB2_13:
0x1b3: {  	_ =	sfence.sel $0x180000  }
0x1b4: {  	[bflag:$0x0] =	sbarrier.arrive $0xFFFF  }
0x1b5: {  	p0 =	sne.s32 s0, $0x0;
	_ =	strace $0x90000047  }
0x1b6: {  	s0 =	sadd.s32 @!p0 $0x100000, s1;
	[bflag:$0x2] =	sbarrier.arrive $0xFFFF  }
0x1b7: {  	[sflag:s0] =	ssyncadd.tile.s32 @!p0 $0x1;
	_ =	shalt  }
.Lfunc_end2:
_tile_overlayer_lowered:
.L_overlay_start_2:
0x1b8: {  	(tag) =	ssettag $0x2  }
0x1b9: {  	s0 =	rddreg [dreg:$0x0];
	s2 =	stileid.u32  }
0x1ba: {  	s1 =	rddreg [dreg:$0x1];
	p0 =	sne.s32 s2, $0x0  }
0x1bb: {  	s3 =	rddreg [dreg:$0x2];
	[bflag:$0x3] =	sbarrier.arrive $0xFFFF;
	s2 =	simm.s32 @!p0 $0x1C05  }
0x1bc: {  	[timem:s3], [sflag:s2] =	dma.local @!p0 [hbm:s0], s1  }
0x1bd: {  	s0 =	simm.s32 @!p0 $0x5  }
0x1be: {  	_ =	swait.ge @!p0 [sflag:s0], s1  }
0x1bf: {  	s1 =	ssub.s32 @!p0 $0x0, s1;
	[sflag:s0] =	ssyncset.done @!p0 $0x0  }
0x1c0: {  	[sflag:s0] =	ssyncadd.s32 @!p0 s1  }
0x1c1: {  	[bflag:$0x3] =	sbarrier.arrive $0xFFFF  }
0x1c2: {  	_ =	shalt  }

</sc_bundles>
